<compile_context>
chip_gen: v7x
topology: tpu7x:2x2x1
jax: 0.10.2.dev20260603
libtpu: 0.0.44.dev20260713+nightly
codegen_flags: <defaults>
</compile_context>

<pallas_src>
import functools

import jax
import jax.numpy as jnp
from jax import lax
from jax.experimental import pallas as pl
from jax.experimental.pallas import tpu as pltpu
from jax.experimental.pallas import tpu_sc as plsc

HIDDEN = 2048
EXPERTS = 64
K = 8
BATCH = 4
SEQ = 4096
SEQ_BLOCK = 1024
HALF_B = BATCH // 2

_info = plsc.get_sparse_core_info()
NC, NS, LANES = _info.num_cores, _info.num_subcores, _info.num_lanes
NW = NC * NS
TOK_PER_W = HALF_B * SEQ // NW
W_PER_B = SEQ // TOK_PER_W


def _matmul_body(x_ref, w_ref, logits_ref):
    logits_ref[0] = lax.dot_general(
        w_ref[...], x_ref[0], (((1,), (1,)), ((), ())),
        preferred_element_type=jnp.float32,
    )


def _topk_body(logits_hbm, wts_hbm, idx_hbm, logits_v, wts_v, idx_v):
    wid = lax.axis_index("s") * NC + lax.axis_index("c")
    b = wid // W_PER_B
    s0 = (wid % W_PER_B) * TOK_PER_W
    pltpu.sync_copy(logits_hbm.at[b, :, pl.ds(s0, TOK_PER_W)], logits_v)

    lane = jnp.arange(LANES, dtype=jnp.int32)
    mask8 = lane < K
    idx_consts = [lane + 16 * c for c in range(4)]

    def merge(ak, ai, bk, bi):
        rbk = lax.rev(bk, (0,))
        rbi = lax.rev(bi, (0,))
        ge = ak >= rbk
        hk = jnp.where(ge, ak, rbk)
        hi = jnp.where(ge, ai, rbi)
        return plsc.sort_key_val(hk, hi, descending=True)

    @plsc.parallel_loop(0, TOK_PER_W, step=1, unroll=4)
    def body(t):
        tvec = jnp.full((LANES,), t, dtype=jnp.int32)
        leafs = [
            plsc.sort_key_val(plsc.load_gather(logits_v, [idx_consts[c], tvec]),
                              idx_consts[c], descending=True)
            for c in range(4)
        ]
        k01, i01 = merge(*leafs[0], *leafs[1])
        k23, i23 = merge(*leafs[2], *leafs[3])
        fk, fi = merge(k01, i01, k23, i23)
        e = jnp.where(mask8, jnp.exp(fk - jnp.max(fk)), 0.0)
        w8 = e / jnp.sum(e)
        plsc.store_scatter(wts_v, [lane, tvec], w8, mask=mask8)
        plsc.store_scatter(idx_v, [lane, tvec], fi, mask=mask8)

    pltpu.sync_copy(wts_v, wts_hbm.at[b, :, pl.ds(s0, TOK_PER_W)])
    pltpu.sync_copy(idx_v, idx_hbm.at[b, :, pl.ds(s0, TOK_PER_W)])


_topk_call = pl.kernel(
    _topk_body,
    out_type=[
        jax.ShapeDtypeStruct((HALF_B, K, SEQ), jnp.float32),
        jax.ShapeDtypeStruct((HALF_B, K, SEQ), jnp.int32),
    ],
    mesh=plsc.VectorSubcoreMesh(core_axis_name="c", subcore_axis_name="s"),
    compiler_params=pltpu.CompilerParams(needs_layout_passes=False),
    scratch_types=[
        pltpu.VMEM((EXPERTS, TOK_PER_W), jnp.float32),
        pltpu.VMEM((K, TOK_PER_W), jnp.float32),
        pltpu.VMEM((K, TOK_PER_W), jnp.int32),
    ],
)


def _half_matmul(hidden_states, gate_weight, half):
    return pl.pallas_call(
        _matmul_body,
        grid=(HALF_B, SEQ // SEQ_BLOCK),
        in_specs=[
            pl.BlockSpec((1, SEQ_BLOCK, HIDDEN),
                         lambda b, j: (b + half * HALF_B, j, 0)),
            pl.BlockSpec((EXPERTS, HIDDEN), lambda b, j: (0, 0)),
        ],
        out_specs=pl.BlockSpec((1, EXPERTS, SEQ_BLOCK), lambda b, j: (b, 0, j)),
        out_shape=jax.ShapeDtypeStruct((HALF_B, EXPERTS, SEQ), jnp.float32),
    )(hidden_states, gate_weight)


@functools.partial(jax.jit, static_argnames=())
def kernel(hidden_states, gate_weight):
    B, S, H = hidden_states.shape
    log_a = _half_matmul(hidden_states, gate_weight, 0)
    log_b = _half_matmul(hidden_states, gate_weight, 1)
    wts_a, idx_a = _topk_call(log_a)
    wts_b, idx_b = _topk_call(log_b)
    logits = jnp.concatenate([log_a, log_b], axis=0)
    wts_p = jnp.concatenate([wts_a, wts_b], axis=0)
    idx_p = jnp.concatenate([idx_a, idx_b], axis=0)
    return (jnp.swapaxes(logits, 1, 2),
            jnp.swapaxes(wts_p, 1, 2),
            jnp.swapaxes(idx_p, 1, 2))

# --- scband reference (transcript-rebuilt; emitter-appended) ---
"""Pipeline reference for scband-mo-erouter-7267084665016 (READ-ONLY COPY).

The authoritative reference and input builder live on the scoring server;
editing this copy changes nothing except your own understanding.
"""

import jax, jax.numpy as jnp
import numpy as np

HIDDEN_SIZE = 2048
NUM_EXPERTS = 64
TOP_K = 8
BATCH = 4
SEQ_LEN = 4096


def setup_inputs(seed: int = 0) -> dict:
    key = jax.random.key(seed)
    k1, k2 = jax.random.split(key)
    hidden_states = jax.random.normal(k1, (BATCH, SEQ_LEN, HIDDEN_SIZE), dtype=jnp.float32)
    # nn.Linear(hidden_size, num_experts, bias=False) -> weight shape [num_experts, hidden_size]
    bound = 1.0 / np.sqrt(HIDDEN_SIZE)
    gate_weight = jax.random.uniform(k2, (NUM_EXPERTS, HIDDEN_SIZE), dtype=jnp.float32, minval=-bound, maxval=bound)
    return {"hidden_states": hidden_states, "gate_weight": gate_weight}


def reference(hidden_states, gate_weight):
    # router_logits = self.gate(hidden_states)  (Linear, no bias)
    router_logits = jnp.einsum('bsh,eh->bse', hidden_states, gate_weight)
    # softmax in float32
    router_weights = jax.nn.softmax(router_logits.astype(jnp.float32), axis=-1)
    # top-k over experts
    expert_weights, expert_indices = jax.lax.top_k(router_weights, TOP_K)
    # renormalize
    expert_weights = expert_weights / jnp.sum(expert_weights, axis=-1, keepdims=True)
    return (router_logits, expert_weights, expert_indices)

if __name__ == "__main__":
    import jax
    _d = setup_inputs()
    print(jax.jit(kernel)(*tuple(_d.values())))

</pallas_src>

<mosaic_0001>
#map = affine_map<(d0, d1) -> (0, 0, 0)>
module attributes {stable_mosaic.version = 14 : i64} {
  func.func @_topk_body(%arg0: i32, %arg1: i32, %arg2: memref<2x64x4096xf32, #tpu.memory_space<hbm>>, %arg3: memref<2x8x4096xf32, #tpu.memory_space<hbm>>, %arg4: memref<2x8x4096xi32, #tpu.memory_space<hbm>>, %arg5: memref<64x256xf32, #tpu.memory_space<vmem>>, %arg6: memref<8x256xf32, #tpu.memory_space<vmem>>, %arg7: memref<8x256xi32, #tpu.memory_space<vmem>>) attributes {dimension_semantics = [#tpu.dimension_semantics<core_parallel>, #tpu.dimension_semantics<subcore_parallel>], iteration_bounds = array<i64: 2, 16>, scalar_prefetch = 0 : i64, scratch_operands = 3 : i64, tpu.core_type = #tpu.core_type<sc_vector_subcore>, window_params = [{transform_indices = #map}, {transform_indices = #map}, {transform_indices = #map}]} {
    %mul3A = arith.constant 2 : i32
    %mul3A_0 = arith.muli %arg1, %mul3A : i32
    %add3A = arith.addi %mul3A_0, %arg0 : i32
    %jit3A = arith.constant 16 : i32
    %div3A = arith.divsi %add3A, %jit3A : i32
    %sign3A = arith.constant 0 : i32
    %sign3A_1 = arith.cmpi sgt, %add3A, %sign3A : i32
    %sign3A_2 = arith.extui %sign3A_1 : i1 to i32
    %sign3A_3 = arith.constant 0 : i32
    %sign3A_4 = arith.cmpi slt, %add3A, %sign3A_3 : i32
    %sign3A_5 = arith.extui %sign3A_4 : i1 to i32
    %sign3A_6 = arith.subi %sign3A_2, %sign3A_5 : i32
    %sign3A_7 = arith.constant 0 : i32
    %sign3A_8 = arith.cmpi sgt, %jit3A, %sign3A_7 : i32
    %sign3A_9 = arith.extui %sign3A_8 : i1 to i32
    %sign3A_10 = arith.constant 0 : i32
    %sign3A_11 = arith.cmpi slt, %jit3A, %sign3A_10 : i32
    %sign3A_12 = arith.extui %sign3A_11 : i1 to i32
    %sign3A_13 = arith.subi %sign3A_9, %sign3A_12 : i32
    %ne3A = arith.cmpi ne, %sign3A_6, %sign3A_13 : i32
    %rem3A = arith.remsi %add3A, %jit3A : i32
    %ne3A_14 = arith.constant 0 : i32
    %ne3A_15 = arith.cmpi ne, %rem3A, %ne3A_14 : i32
    %and3A = arith.andi %ne3A, %ne3A_15 : i1
    %sub3A = arith.constant 1 : i32
    %sub3A_16 = arith.subi %div3A, %sub3A : i32
    %select_n3A = arith.select %and3A, %sub3A_16, %div3A : i32
    %jit3A_17 = arith.constant 16 : i32
    %eq3A = arith.constant 0 : i32
    %eq3A_18 = arith.cmpi eq, %jit3A_17, %eq3A : i32
    %jit3A_19 = arith.constant 1 : i32
    %select_n3A_20 = arith.select %eq3A_18, %jit3A_19, %jit3A_17 : i32
    %rem3A_21 = arith.remsi %add3A, %select_n3A_20 : i32
    %ne3A_22 = arith.constant 0 : i32
    %ne3A_23 = arith.cmpi ne, %rem3A_21, %ne3A_22 : i32
    %lt3A = arith.constant 0 : i32
    %lt3A_24 = arith.cmpi slt, %rem3A_21, %lt3A : i32
    %lt3A_25 = arith.constant 0 : i32
    %lt3A_26 = arith.cmpi slt, %select_n3A_20, %lt3A_25 : i32
    %ne3A_27 = arith.xori %lt3A_24, %lt3A_26 : i1
    %and3A_28 = arith.andi %ne3A_27, %ne3A_23 : i1
    %add3A_29 = arith.addi %rem3A_21, %select_n3A_20 : i32
    %select_n3A_30 = arith.select %and3A_28, %add3A_29, %rem3A_21 : i32
    %mul3A_31 = arith.constant 256 : i32
    %mul3A_32 = arith.muli %select_n3A_30, %mul3A_31 : i32
    "tpu.region"() ({
      %run_scoped3A = tpu.sem_alloc : memref<!tpu.dma_semaphore, #tpu.memory_space<semaphore_mem>>
      %dma_start3A = arith.constant 0 : i32
      %dma_start3A_50 = tpu.memref_slice %arg2[%select_n3A, %dma_start3A, %mul3A_32] : memref<2x64x4096xf32, #tpu.memory_space<hbm>> -> memref<1x64x256xf32, #tpu.memory_space<hbm>>
      %dma_start3A_51 = tpu.memref_squeeze %dma_start3A_50 : memref<1x64x256xf32, #tpu.memory_space<hbm>> -> memref<64x256xf32, #tpu.memory_space<hbm>>
      %dma_start3A_52 = arith.constant 0 : i32
      %dma_start3A_53 = tpu.memref_slice %arg2[%select_n3A, %dma_start3A_52, %mul3A_32] : memref<2x64x4096xf32, #tpu.memory_space<hbm>> -> memref<1x64x256xf32, #tpu.memory_space<hbm>>
      %dma_start3A_54 = tpu.memref_squeeze %dma_start3A_53 : memref<1x64x256xf32, #tpu.memory_space<hbm>> -> memref<64x256xf32, #tpu.memory_space<hbm>>
      tpu.enqueue_dma source(%dma_start3A_54 : memref<64x256xf32, #tpu.memory_space<hbm>>) target(%arg5 : memref<64x256xf32, #tpu.memory_space<vmem>>) target_semaphore(%run_scoped3A : memref<!tpu.dma_semaphore, #tpu.memory_space<semaphore_mem>>)
      %dma_wait3A = arith.constant 0 : i32
      %dma_wait3A_55 = tpu.memref_slice %arg2[%select_n3A, %dma_wait3A, %mul3A_32] : memref<2x64x4096xf32, #tpu.memory_space<hbm>> -> memref<1x64x256xf32, #tpu.memory_space<hbm>>
      %dma_wait3A_56 = tpu.memref_squeeze %dma_wait3A_55 : memref<1x64x256xf32, #tpu.memory_space<hbm>> -> memref<64x256xf32, #tpu.memory_space<hbm>>
      %dma_wait3A_57 = arith.constant 0 : i32
      %dma_wait3A_58 = tpu.memref_slice %arg2[%select_n3A, %dma_wait3A_57, %mul3A_32] : memref<2x64x4096xf32, #tpu.memory_space<hbm>> -> memref<1x64x256xf32, #tpu.memory_space<hbm>>
      %dma_wait3A_59 = tpu.memref_squeeze %dma_wait3A_58 : memref<1x64x256xf32, #tpu.memory_space<hbm>> -> memref<64x256xf32, #tpu.memory_space<hbm>>
      tpu.wait_dma2 semaphore(%run_scoped3A : memref<!tpu.dma_semaphore, #tpu.memory_space<semaphore_mem>>) src(%dma_wait3A_59 : memref<64x256xf32, #tpu.memory_space<hbm>>) dst(%arg5 : memref<64x256xf32, #tpu.memory_space<vmem>>)
      tpu.yield
    }) : () -> ()
    %iota3A = tpu.iota {dimensions = array<i32: 0>} : vector<16xi32>
    %lt3A_33 = arith.constant 8 : i32
    %lt3A_34 = vector.broadcast %lt3A_33 : i32 to vector<16xi32>
    %lt3A_35 = arith.cmpi slt, %iota3A, %lt3A_34 : vector<16xi32>
    %add3A_36 = arith.constant 0 : i32
    %add3A_37 = vector.broadcast %add3A_36 : i32 to vector<16xi32>
    %add3A_38 = arith.addi %iota3A, %add3A_37 : vector<16xi32>
    %add3A_39 = arith.constant 16 : i32
    %add3A_40 = vector.broadcast %add3A_39 : i32 to vector<16xi32>
    %add3A_41 = arith.addi %iota3A, %add3A_40 : vector<16xi32>
    %add3A_42 = arith.constant 32 : i32
    %add3A_43 = vector.broadcast %add3A_42 : i32 to vector<16xi32>
    %add3A_44 = arith.addi %iota3A, %add3A_43 : vector<16xi32>
    %add3A_45 = arith.constant 48 : i32
    %add3A_46 = vector.broadcast %add3A_45 : i32 to vector<16xi32>
    %add3A_47 = arith.addi %iota3A, %add3A_46 : vector<16xi32>
    %parallel_loop3A = arith.constant 0 : i32
    %parallel_loop3A_48 = arith.constant 256 : i32
    %parallel_loop3A_49 = arith.constant 1 : i32
    scf.for %parallel_loop3A_50 = %parallel_loop3A to %parallel_loop3A_48 step %parallel_loop3A_49  : i32 {
      %parallel_loop3A_51 = vector.broadcast %parallel_loop3A_50 : i32 to vector<16xi32>
      %parallel_loop3A_52 = tpu.vector_load_idx %arg5[%add3A_38, %parallel_loop3A_51] : memref<64x256xf32, #tpu.memory_space<vmem>>[vector<16xi32>, vector<16xi32>], vector<16xf32>,
      %parallel_loop3A_53 = arith.constant dense<true> : vector<16xi1>
      %parallel_loop3A_54, %parallel_loop3A_55, %parallel_loop3A_56 = tpu.sort %parallel_loop3A_52, %add3A_38 masked %parallel_loop3A_53 {descending = true} : (vector<16xf32>, vector<16xi32>, vector<16xi1>) -> (vector<16xi1>, vector<16xf32>, vector<16xi32>)
      %parallel_loop3A_57 = tpu.vector_load_idx %arg5[%add3A_41, %parallel_loop3A_51] : memref<64x256xf32, #tpu.memory_space<vmem>>[vector<16xi32>, vector<16xi32>], vector<16xf32>,
      %parallel_loop3A_58 = arith.constant dense<true> : vector<16xi1>
      %parallel_loop3A_59, %parallel_loop3A_60, %parallel_loop3A_61 = tpu.sort %parallel_loop3A_57, %add3A_41 masked %parallel_loop3A_58 {descending = true} : (vector<16xf32>, vector<16xi32>, vector<16xi1>) -> (vector<16xi1>, vector<16xf32>, vector<16xi32>)
      %parallel_loop3A_62 = tpu.vector_load_idx %arg5[%add3A_44, %parallel_loop3A_51] : memref<64x256xf32, #tpu.memory_space<vmem>>[vector<16xi32>, vector<16xi32>], vector<16xf32>,
      %parallel_loop3A_63 = arith.constant dense<true> : vector<16xi1>
      %parallel_loop3A_64, %parallel_loop3A_65, %parallel_loop3A_66 = tpu.sort %parallel_loop3A_62, %add3A_44 masked %parallel_loop3A_63 {descending = true} : (vector<16xf32>, vector<16xi32>, vector<16xi1>) -> (vector<16xi1>, vector<16xf32>, vector<16xi32>)
      %parallel_loop3A_67 = tpu.vector_load_idx %arg5[%add3A_47, %parallel_loop3A_51] : memref<64x256xf32, #tpu.memory_space<vmem>>[vector<16xi32>, vector<16xi32>], vector<16xf32>,
      %parallel_loop3A_68 = arith.constant dense<true> : vector<16xi1>
      %parallel_loop3A_69, %parallel_loop3A_70, %parallel_loop3A_71 = tpu.sort %parallel_loop3A_67, %add3A_47 masked %parallel_loop3A_68 {descending = true} : (vector<16xf32>, vector<16xi32>, vector<16xi1>) -> (vector<16xi1>, vector<16xf32>, vector<16xi32>)
      %parallel_loop3A_72 = arith.constant 15 : i32
      %parallel_loop3A_73 = vector.broadcast %parallel_loop3A_72 : i32 to vector<16xi32>
      %parallel_loop3A_74 = tpu.iota {dimensions = array<i32: 0>} : vector<16xi32>
      %parallel_loop3A_75 = arith.subi %parallel_loop3A_73, %parallel_loop3A_74 : vector<16xi32>
      %parallel_loop3A_76 = tpu.dynamic_gather %parallel_loop3A_60[%parallel_loop3A_75] in [0] : vector<16xf32>, vector<16xi32> -> vector<16xf32>
      %parallel_loop3A_77 = arith.constant 15 : i32
      %parallel_loop3A_78 = vector.broadcast %parallel_loop3A_77 : i32 to vector<16xi32>
      %parallel_loop3A_79 = tpu.iota {dimensions = array<i32: 0>} : vector<16xi32>
      %parallel_loop3A_80 = arith.subi %parallel_loop3A_78, %parallel_loop3A_79 : vector<16xi32>
      %parallel_loop3A_81 = tpu.dynamic_gather %parallel_loop3A_61[%parallel_loop3A_80] in [0] : vector<16xi32>, vector<16xi32> -> vector<16xi32>
      %parallel_loop3A_82 = arith.cmpf oge, %parallel_loop3A_55, %parallel_loop3A_76 : vector<16xf32>
      %parallel_loop3A_83 = arith.select %parallel_loop3A_82, %parallel_loop3A_55, %parallel_loop3A_76 : vector<16xi1>, vector<16xf32>
      %parallel_loop3A_84 = arith.select %parallel_loop3A_82, %parallel_loop3A_56, %parallel_loop3A_81 : vector<16xi1>, vector<16xi32>
      %parallel_loop3A_85 = arith.constant dense<true> : vector<16xi1>
      %parallel_loop3A_86, %parallel_loop3A_87, %parallel_loop3A_88 = tpu.sort %parallel_loop3A_83, %parallel_loop3A_84 masked %parallel_loop3A_85 {descending = true} : (vector<16xf32>, vector<16xi32>, vector<16xi1>) -> (vector<16xi1>, vector<16xf32>, vector<16xi32>)
      %parallel_loop3A_89 = arith.constant 15 : i32
      %parallel_loop3A_90 = vector.broadcast %parallel_loop3A_89 : i32 to vector<16xi32>
      %parallel_loop3A_91 = tpu.iota {dimensions = array<i32: 0>} : vector<16xi32>
      %parallel_loop3A_92 = arith.subi %parallel_loop3A_90, %parallel_loop3A_91 : vector<16xi32>
      %parallel_loop3A_93 = tpu.dynamic_gather %parallel_loop3A_70[%parallel_loop3A_92] in [0] : vector<16xf32>, vector<16xi32> -> vector<16xf32>
      %parallel_loop3A_94 = arith.constant 15 : i32
      %parallel_loop3A_95 = vector.broadcast %parallel_loop3A_94 : i32 to vector<16xi32>
      %parallel_loop3A_96 = tpu.iota {dimensions = array<i32: 0>} : vector<16xi32>
      %parallel_loop3A_97 = arith.subi %parallel_loop3A_95, %parallel_loop3A_96 : vector<16xi32>
      %parallel_loop3A_98 = tpu.dynamic_gather %parallel_loop3A_71[%parallel_loop3A_97] in [0] : vector<16xi32>, vector<16xi32> -> vector<16xi32>
      %parallel_loop3A_99 = arith.cmpf oge, %parallel_loop3A_65, %parallel_loop3A_93 : vector<16xf32>
      %parallel_loop3A_100 = arith.select %parallel_loop3A_99, %parallel_loop3A_65, %parallel_loop3A_93 : vector<16xi1>, vector<16xf32>
      %parallel_loop3A_101 = arith.select %parallel_loop3A_99, %parallel_loop3A_66, %parallel_loop3A_98 : vector<16xi1>, vector<16xi32>
      %parallel_loop3A_102 = arith.constant dense<true> : vector<16xi1>
      %parallel_loop3A_103, %parallel_loop3A_104, %parallel_loop3A_105 = tpu.sort %parallel_loop3A_100, %parallel_loop3A_101 masked %parallel_loop3A_102 {descending = true} : (vector<16xf32>, vector<16xi32>, vector<16xi1>) -> (vector<16xi1>, vector<16xf32>, vector<16xi32>)
      %parallel_loop3A_106 = arith.constant 15 : i32
      %parallel_loop3A_107 = vector.broadcast %parallel_loop3A_106 : i32 to vector<16xi32>
      %parallel_loop3A_108 = tpu.iota {dimensions = array<i32: 0>} : vector<16xi32>
      %parallel_loop3A_109 = arith.subi %parallel_loop3A_107, %parallel_loop3A_108 : vector<16xi32>
      %parallel_loop3A_110 = tpu.dynamic_gather %parallel_loop3A_104[%parallel_loop3A_109] in [0] : vector<16xf32>, vector<16xi32> -> vector<16xf32>
      %parallel_loop3A_111 = arith.constant 15 : i32
      %parallel_loop3A_112 = vector.broadcast %parallel_loop3A_111 : i32 to vector<16xi32>
      %parallel_loop3A_113 = tpu.iota {dimensions = array<i32: 0>} : vector<16xi32>
      %parallel_loop3A_114 = arith.subi %parallel_loop3A_112, %parallel_loop3A_113 : vector<16xi32>
      %parallel_loop3A_115 = tpu.dynamic_gather %parallel_loop3A_105[%parallel_loop3A_114] in [0] : vector<16xi32>, vector<16xi32> -> vector<16xi32>
      %parallel_loop3A_116 = arith.cmpf oge, %parallel_loop3A_87, %parallel_loop3A_110 : vector<16xf32>
      %parallel_loop3A_117 = arith.select %parallel_loop3A_116, %parallel_loop3A_87, %parallel_loop3A_110 : vector<16xi1>, vector<16xf32>
      %parallel_loop3A_118 = arith.select %parallel_loop3A_116, %parallel_loop3A_88, %parallel_loop3A_115 : vector<16xi1>, vector<16xi32>
      %parallel_loop3A_119 = arith.constant dense<true> : vector<16xi1>
      %parallel_loop3A_120, %parallel_loop3A_121, %parallel_loop3A_122 = tpu.sort %parallel_loop3A_117, %parallel_loop3A_118 masked %parallel_loop3A_119 {descending = true} : (vector<16xf32>, vector<16xi32>, vector<16xi1>) -> (vector<16xi1>, vector<16xf32>, vector<16xi32>)
      %parallel_loop3A_123 = arith.constant true
      %parallel_loop3A_124 = vector.broadcast %parallel_loop3A_123 : i1 to vector<16xi1>
      %parallel_loop3A_125 = tpu.scan <max>, %parallel_loop3A_121 masked %parallel_loop3A_124 : vector<16xf32>, vector<16xi1> -> vector<16xf32>
      %parallel_loop3A_126 = vector.extract %parallel_loop3A_125[15] : f32 from vector<16xf32>
      %parallel_loop3A_127 = vector.broadcast %parallel_loop3A_126 : f32 to vector<16xf32>
      %parallel_loop3A_128 = arith.subf %parallel_loop3A_121, %parallel_loop3A_127 : vector<16xf32>
      %parallel_loop3A_129 = math.exp %parallel_loop3A_128 : vector<16xf32>
      %parallel_loop3A_130 = arith.constant 0.000000e+00 : f32
      %parallel_loop3A_131 = vector.broadcast %parallel_loop3A_130 : f32 to vector<16xf32>
      %parallel_loop3A_132 = arith.select %lt3A_35, %parallel_loop3A_129, %parallel_loop3A_131 : vector<16xi1>, vector<16xf32>
      %parallel_loop3A_133 = arith.constant true
      %parallel_loop3A_134 = vector.broadcast %parallel_loop3A_133 : i1 to vector<16xi1>
      %parallel_loop3A_135 = tpu.scan <sum>, %parallel_loop3A_132 masked %parallel_loop3A_134 : vector<16xf32>, vector<16xi1> -> vector<16xf32>
      %parallel_loop3A_136 = vector.extract %parallel_loop3A_135[15] : f32 from vector<16xf32>
      %parallel_loop3A_137 = vector.broadcast %parallel_loop3A_136 : f32 to vector<16xf32>
      %parallel_loop3A_138 = arith.divf %parallel_loop3A_132, %parallel_loop3A_137 : vector<16xf32>
      tpu.vector_store_idx %arg6[%iota3A, %parallel_loop3A_51], %parallel_loop3A_138 masked %lt3A_35 : memref<8x256xf32, #tpu.memory_space<vmem>>[vector<16xi32>, vector<16xi32>], vector<16xf32>, vector<16xi1>
      tpu.vector_store_idx %arg7[%iota3A, %parallel_loop3A_51], %parallel_loop3A_122 masked %lt3A_35 : memref<8x256xi32, #tpu.memory_space<vmem>>[vector<16xi32>, vector<16xi32>], vector<16xi32>, vector<16xi1>
    } {sc.loop_unroll_factor = 4 : i64, sc.parallel_access}
    "tpu.region"() ({
      %run_scoped3A = tpu.sem_alloc : memref<!tpu.dma_semaphore, #tpu.memory_space<semaphore_mem>>
      %dma_start3A = arith.constant 0 : i32
      %dma_start3A_50 = tpu.memref_slice %arg3[%select_n3A, %dma_start3A, %mul3A_32] : memref<2x8x4096xf32, #tpu.memory_space<hbm>> -> memref<1x8x256xf32, #tpu.memory_space<hbm>>
      %dma_start3A_51 = tpu.memref_squeeze %dma_start3A_50 : memref<1x8x256xf32, #tpu.memory_space<hbm>> -> memref<8x256xf32, #tpu.memory_space<hbm>>
      %dma_start3A_52 = arith.constant 0 : i32
      %dma_start3A_53 = tpu.memref_slice %arg3[%select_n3A, %dma_start3A_52, %mul3A_32] : memref<2x8x4096xf32, #tpu.memory_space<hbm>> -> memref<1x8x256xf32, #tpu.memory_space<hbm>>
      %dma_start3A_54 = tpu.memref_squeeze %dma_start3A_53 : memref<1x8x256xf32, #tpu.memory_space<hbm>> -> memref<8x256xf32, #tpu.memory_space<hbm>>
      tpu.enqueue_dma source(%arg6 : memref<8x256xf32, #tpu.memory_space<vmem>>) target(%dma_start3A_54 : memref<8x256xf32, #tpu.memory_space<hbm>>) target_semaphore(%run_scoped3A : memref<!tpu.dma_semaphore, #tpu.memory_space<semaphore_mem>>)
      %dma_wait3A = arith.constant 0 : i32
      %dma_wait3A_55 = tpu.memref_slice %arg3[%select_n3A, %dma_wait3A, %mul3A_32] : memref<2x8x4096xf32, #tpu.memory_space<hbm>> -> memref<1x8x256xf32, #tpu.memory_space<hbm>>
      %dma_wait3A_56 = tpu.memref_squeeze %dma_wait3A_55 : memref<1x8x256xf32, #tpu.memory_space<hbm>> -> memref<8x256xf32, #tpu.memory_space<hbm>>
      %dma_wait3A_57 = arith.constant 0 : i32
      %dma_wait3A_58 = tpu.memref_slice %arg3[%select_n3A, %dma_wait3A_57, %mul3A_32] : memref<2x8x4096xf32, #tpu.memory_space<hbm>> -> memref<1x8x256xf32, #tpu.memory_space<hbm>>
      %dma_wait3A_59 = tpu.memref_squeeze %dma_wait3A_58 : memref<1x8x256xf32, #tpu.memory_space<hbm>> -> memref<8x256xf32, #tpu.memory_space<hbm>>
      tpu.wait_dma2 semaphore(%run_scoped3A : memref<!tpu.dma_semaphore, #tpu.memory_space<semaphore_mem>>) src(%arg6 : memref<8x256xf32, #tpu.memory_space<vmem>>) dst(%dma_wait3A_59 : memref<8x256xf32, #tpu.memory_space<hbm>>)
      tpu.yield
    }) : () -> ()
    "tpu.region"() ({
      %run_scoped3A = tpu.sem_alloc : memref<!tpu.dma_semaphore, #tpu.memory_space<semaphore_mem>>
      %dma_start3A = arith.constant 0 : i32
      %dma_start3A_50 = tpu.memref_slice %arg4[%select_n3A, %dma_start3A, %mul3A_32] : memref<2x8x4096xi32, #tpu.memory_space<hbm>> -> memref<1x8x256xi32, #tpu.memory_space<hbm>>
      %dma_start3A_51 = tpu.memref_squeeze %dma_start3A_50 : memref<1x8x256xi32, #tpu.memory_space<hbm>> -> memref<8x256xi32, #tpu.memory_space<hbm>>
      %dma_start3A_52 = arith.constant 0 : i32
      %dma_start3A_53 = tpu.memref_slice %arg4[%select_n3A, %dma_start3A_52, %mul3A_32] : memref<2x8x4096xi32, #tpu.memory_space<hbm>> -> memref<1x8x256xi32, #tpu.memory_space<hbm>>
      %dma_start3A_54 = tpu.memref_squeeze %dma_start3A_53 : memref<1x8x256xi32, #tpu.memory_space<hbm>> -> memref<8x256xi32, #tpu.memory_space<hbm>>
      tpu.enqueue_dma source(%arg7 : memref<8x256xi32, #tpu.memory_space<vmem>>) target(%dma_start3A_54 : memref<8x256xi32, #tpu.memory_space<hbm>>) target_semaphore(%run_scoped3A : memref<!tpu.dma_semaphore, #tpu.memory_space<semaphore_mem>>)
      %dma_wait3A = arith.constant 0 : i32
      %dma_wait3A_55 = tpu.memref_slice %arg4[%select_n3A, %dma_wait3A, %mul3A_32] : memref<2x8x4096xi32, #tpu.memory_space<hbm>> -> memref<1x8x256xi32, #tpu.memory_space<hbm>>
      %dma_wait3A_56 = tpu.memref_squeeze %dma_wait3A_55 : memref<1x8x256xi32, #tpu.memory_space<hbm>> -> memref<8x256xi32, #tpu.memory_space<hbm>>
      %dma_wait3A_57 = arith.constant 0 : i32
      %dma_wait3A_58 = tpu.memref_slice %arg4[%select_n3A, %dma_wait3A_57, %mul3A_32] : memref<2x8x4096xi32, #tpu.memory_space<hbm>> -> memref<1x8x256xi32, #tpu.memory_space<hbm>>
      %dma_wait3A_59 = tpu.memref_squeeze %dma_wait3A_58 : memref<1x8x256xi32, #tpu.memory_space<hbm>> -> memref<8x256xi32, #tpu.memory_space<hbm>>
      tpu.wait_dma2 semaphore(%run_scoped3A : memref<!tpu.dma_semaphore, #tpu.memory_space<semaphore_mem>>) src(%arg7 : memref<8x256xi32, #tpu.memory_space<vmem>>) dst(%dma_wait3A_59 : memref<8x256xi32, #tpu.memory_space<hbm>>)
      tpu.yield
    }) : () -> ()
    return
  }
}

#map = affine_map<(d0, d1) -> (0, 0, 0)>
module attributes {stable_mosaic.version = 14 : i64} {
  func.func @_topk_body(%arg0: i32, %arg1: i32, %arg2: memref<2x64x4096xf32, #tpu.memory_space<hbm>>, %arg3: memref<2x8x4096xf32, #tpu.memory_space<hbm>>, %arg4: memref<2x8x4096xi32, #tpu.memory_space<hbm>>, %arg5: memref<64x256xf32, #tpu.memory_space<vmem>>, %arg6: memref<8x256xf32, #tpu.memory_space<vmem>>, %arg7: memref<8x256xi32, #tpu.memory_space<vmem>>) attributes {dimension_semantics = [#tpu.dimension_semantics<core_parallel>, #tpu.dimension_semantics<subcore_parallel>], iteration_bounds = array<i64: 2, 16>, scalar_prefetch = 0 : i64, scratch_operands = 3 : i64, tpu.core_type = #tpu.core_type<sc_vector_subcore>, window_params = [{transform_indices = #map}, {transform_indices = #map}, {transform_indices = #map}]} {
    %mul3A = arith.constant 2 : i32
    %mul3A_0 = arith.muli %arg1, %mul3A : i32
    %add3A = arith.addi %mul3A_0, %arg0 : i32
    %jit3A = arith.constant 16 : i32
    %div3A = arith.divsi %add3A, %jit3A : i32
    %sign3A = arith.constant 0 : i32
    %sign3A_1 = arith.cmpi sgt, %add3A, %sign3A : i32
    %sign3A_2 = arith.extui %sign3A_1 : i1 to i32
    %sign3A_3 = arith.constant 0 : i32
    %sign3A_4 = arith.cmpi slt, %add3A, %sign3A_3 : i32
    %sign3A_5 = arith.extui %sign3A_4 : i1 to i32
    %sign3A_6 = arith.subi %sign3A_2, %sign3A_5 : i32
    %sign3A_7 = arith.constant 0 : i32
    %sign3A_8 = arith.cmpi sgt, %jit3A, %sign3A_7 : i32
    %sign3A_9 = arith.extui %sign3A_8 : i1 to i32
    %sign3A_10 = arith.constant 0 : i32
    %sign3A_11 = arith.cmpi slt, %jit3A, %sign3A_10 : i32
    %sign3A_12 = arith.extui %sign3A_11 : i1 to i32
    %sign3A_13 = arith.subi %sign3A_9, %sign3A_12 : i32
    %ne3A = arith.cmpi ne, %sign3A_6, %sign3A_13 : i32
    %rem3A = arith.remsi %add3A, %jit3A : i32
    %ne3A_14 = arith.constant 0 : i32
    %ne3A_15 = arith.cmpi ne, %rem3A, %ne3A_14 : i32
    %and3A = arith.andi %ne3A, %ne3A_15 : i1
    %sub3A = arith.constant 1 : i32
    %sub3A_16 = arith.subi %div3A, %sub3A : i32
    %select_n3A = arith.select %and3A, %sub3A_16, %div3A : i32
    %jit3A_17 = arith.constant 16 : i32
    %eq3A = arith.constant 0 : i32
    %eq3A_18 = arith.cmpi eq, %jit3A_17, %eq3A : i32
    %jit3A_19 = arith.constant 1 : i32
    %select_n3A_20 = arith.select %eq3A_18, %jit3A_19, %jit3A_17 : i32
    %rem3A_21 = arith.remsi %add3A, %select_n3A_20 : i32
    %ne3A_22 = arith.constant 0 : i32
    %ne3A_23 = arith.cmpi ne, %rem3A_21, %ne3A_22 : i32
    %lt3A = arith.constant 0 : i32
    %lt3A_24 = arith.cmpi slt, %rem3A_21, %lt3A : i32
    %lt3A_25 = arith.constant 0 : i32
    %lt3A_26 = arith.cmpi slt, %select_n3A_20, %lt3A_25 : i32
    %ne3A_27 = arith.xori %lt3A_24, %lt3A_26 : i1
    %and3A_28 = arith.andi %ne3A_27, %ne3A_23 : i1
    %add3A_29 = arith.addi %rem3A_21, %select_n3A_20 : i32
    %select_n3A_30 = arith.select %and3A_28, %add3A_29, %rem3A_21 : i32
    %mul3A_31 = arith.constant 256 : i32
    %mul3A_32 = arith.muli %select_n3A_30, %mul3A_31 : i32
    "tpu.region"() ({
      %run_scoped3A = tpu.sem_alloc : memref<!tpu.dma_semaphore, #tpu.memory_space<semaphore_mem>>
      %dma_start3A = arith.constant 0 : i32
      %dma_start3A_50 = tpu.memref_slice %arg2[%select_n3A, %dma_start3A, %mul3A_32] : memref<2x64x4096xf32, #tpu.memory_space<hbm>> -> memref<1x64x256xf32, #tpu.memory_space<hbm>>
      %dma_start3A_51 = tpu.memref_squeeze %dma_start3A_50 : memref<1x64x256xf32, #tpu.memory_space<hbm>> -> memref<64x256xf32, #tpu.memory_space<hbm>>
      %dma_start3A_52 = arith.constant 0 : i32
      %dma_start3A_53 = tpu.memref_slice %arg2[%select_n3A, %dma_start3A_52, %mul3A_32] : memref<2x64x4096xf32, #tpu.memory_space<hbm>> -> memref<1x64x256xf32, #tpu.memory_space<hbm>>
      %dma_start3A_54 = tpu.memref_squeeze %dma_start3A_53 : memref<1x64x256xf32, #tpu.memory_space<hbm>> -> memref<64x256xf32, #tpu.memory_space<hbm>>
      tpu.enqueue_dma source(%dma_start3A_54 : memref<64x256xf32, #tpu.memory_space<hbm>>) target(%arg5 : memref<64x256xf32, #tpu.memory_space<vmem>>) target_semaphore(%run_scoped3A : memref<!tpu.dma_semaphore, #tpu.memory_space<semaphore_mem>>)
      %dma_wait3A = arith.constant 0 : i32
      %dma_wait3A_55 = tpu.memref_slice %arg2[%select_n3A, %dma_wait3A, %mul3A_32] : memref<2x64x4096xf32, #tpu.memory_space<hbm>> -> memref<1x64x256xf32, #tpu.memory_space<hbm>>
      %dma_wait3A_56 = tpu.memref_squeeze %dma_wait3A_55 : memref<1x64x256xf32, #tpu.memory_space<hbm>> -> memref<64x256xf32, #tpu.memory_space<hbm>>
      %dma_wait3A_57 = arith.constant 0 : i32
      %dma_wait3A_58 = tpu.memref_slice %arg2[%select_n3A, %dma_wait3A_57, %mul3A_32] : memref<2x64x4096xf32, #tpu.memory_space<hbm>> -> memref<1x64x256xf32, #tpu.memory_space<hbm>>
      %dma_wait3A_59 = tpu.memref_squeeze %dma_wait3A_58 : memref<1x64x256xf32, #tpu.memory_space<hbm>> -> memref<64x256xf32, #tpu.memory_space<hbm>>
      tpu.wait_dma2 semaphore(%run_scoped3A : memref<!tpu.dma_semaphore, #tpu.memory_space<semaphore_mem>>) src(%dma_wait3A_59 : memref<64x256xf32, #tpu.memory_space<hbm>>) dst(%arg5 : memref<64x256xf32, #tpu.memory_space<vmem>>)
      tpu.yield
    }) : () -> ()
    %iota3A = tpu.iota {dimensions = array<i32: 0>} : vector<16xi32>
    %lt3A_33 = arith.constant 8 : i32
    %lt3A_34 = vector.broadcast %lt3A_33 : i32 to vector<16xi32>
    %lt3A_35 = arith.cmpi slt, %iota3A, %lt3A_34 : vector<16xi32>
    %add3A_36 = arith.constant 0 : i32
    %add3A_37 = vector.broadcast %add3A_36 : i32 to vector<16xi32>
    %add3A_38 = arith.addi %iota3A, %add3A_37 : vector<16xi32>
    %add3A_39 = arith.constant 16 : i32
    %add3A_40 = vector.broadcast %add3A_39 : i32 to vector<16xi32>
    %add3A_41 = arith.addi %iota3A, %add3A_40 : vector<16xi32>
    %add3A_42 = arith.constant 32 : i32
    %add3A_43 = vector.broadcast %add3A_42 : i32 to vector<16xi32>
    %add3A_44 = arith.addi %iota3A, %add3A_43 : vector<16xi32>
    %add3A_45 = arith.constant 48 : i32
    %add3A_46 = vector.broadcast %add3A_45 : i32 to vector<16xi32>
    %add3A_47 = arith.addi %iota3A, %add3A_46 : vector<16xi32>
    %parallel_loop3A = arith.constant 0 : i32
    %parallel_loop3A_48 = arith.constant 256 : i32
    %parallel_loop3A_49 = arith.constant 1 : i32
    scf.for %parallel_loop3A_50 = %parallel_loop3A to %parallel_loop3A_48 step %parallel_loop3A_49  : i32 {
      %parallel_loop3A_51 = vector.broadcast %parallel_loop3A_50 : i32 to vector<16xi32>
      %parallel_loop3A_52 = tpu.vector_load_idx %arg5[%add3A_38, %parallel_loop3A_51] : memref<64x256xf32, #tpu.memory_space<vmem>>[vector<16xi32>, vector<16xi32>], vector<16xf32>,
      %parallel_loop3A_53 = arith.constant dense<true> : vector<16xi1>
      %parallel_loop3A_54, %parallel_loop3A_55, %parallel_loop3A_56 = tpu.sort %parallel_loop3A_52, %add3A_38 masked %parallel_loop3A_53 {descending = true} : (vector<16xf32>, vector<16xi32>, vector<16xi1>) -> (vector<16xi1>, vector<16xf32>, vector<16xi32>)
      %parallel_loop3A_57 = tpu.vector_load_idx %arg5[%add3A_41, %parallel_loop3A_51] : memref<64x256xf32, #tpu.memory_space<vmem>>[vector<16xi32>, vector<16xi32>], vector<16xf32>,
      %parallel_loop3A_58 = arith.constant dense<true> : vector<16xi1>
      %parallel_loop3A_59, %parallel_loop3A_60, %parallel_loop3A_61 = tpu.sort %parallel_loop3A_57, %add3A_41 masked %parallel_loop3A_58 {descending = true} : (vector<16xf32>, vector<16xi32>, vector<16xi1>) -> (vector<16xi1>, vector<16xf32>, vector<16xi32>)
      %parallel_loop3A_62 = tpu.vector_load_idx %arg5[%add3A_44, %parallel_loop3A_51] : memref<64x256xf32, #tpu.memory_space<vmem>>[vector<16xi32>, vector<16xi32>], vector<16xf32>,
      %parallel_loop3A_63 = arith.constant dense<true> : vector<16xi1>
      %parallel_loop3A_64, %parallel_loop3A_65, %parallel_loop3A_66 = tpu.sort %parallel_loop3A_62, %add3A_44 masked %parallel_loop3A_63 {descending = true} : (vector<16xf32>, vector<16xi32>, vector<16xi1>) -> (vector<16xi1>, vector<16xf32>, vector<16xi32>)
      %parallel_loop3A_67 = tpu.vector_load_idx %arg5[%add3A_47, %parallel_loop3A_51] : memref<64x256xf32, #tpu.memory_space<vmem>>[vector<16xi32>, vector<16xi32>], vector<16xf32>,
      %parallel_loop3A_68 = arith.constant dense<true> : vector<16xi1>
      %parallel_loop3A_69, %parallel_loop3A_70, %parallel_loop3A_71 = tpu.sort %parallel_loop3A_67, %add3A_47 masked %parallel_loop3A_68 {descending = true} : (vector<16xf32>, vector<16xi32>, vector<16xi1>) -> (vector<16xi1>, vector<16xf32>, vector<16xi32>)
      %parallel_loop3A_72 = arith.constant 15 : i32
      %parallel_loop3A_73 = vector.broadcast %parallel_loop3A_72 : i32 to vector<16xi32>
      %parallel_loop3A_74 = tpu.iota {dimensions = array<i32: 0>} : vector<16xi32>
      %parallel_loop3A_75 = arith.subi %parallel_loop3A_73, %parallel_loop3A_74 : vector<16xi32>
      %parallel_loop3A_76 = tpu.dynamic_gather %parallel_loop3A_60[%parallel_loop3A_75] in [0] : vector<16xf32>, vector<16xi32> -> vector<16xf32>
      %parallel_loop3A_77 = arith.constant 15 : i32
      %parallel_loop3A_78 = vector.broadcast %parallel_loop3A_77 : i32 to vector<16xi32>
      %parallel_loop3A_79 = tpu.iota {dimensions = array<i32: 0>} : vector<16xi32>
      %parallel_loop3A_80 = arith.subi %parallel_loop3A_78, %parallel_loop3A_79 : vector<16xi32>
      %parallel_loop3A_81 = tpu.dynamic_gather %parallel_loop3A_61[%parallel_loop3A_80] in [0] : vector<16xi32>, vector<16xi32> -> vector<16xi32>
      %parallel_loop3A_82 = arith.cmpf oge, %parallel_loop3A_55, %parallel_loop3A_76 : vector<16xf32>
      %parallel_loop3A_83 = arith.select %parallel_loop3A_82, %parallel_loop3A_55, %parallel_loop3A_76 : vector<16xi1>, vector<16xf32>
      %parallel_loop3A_84 = arith.select %parallel_loop3A_82, %parallel_loop3A_56, %parallel_loop3A_81 : vector<16xi1>, vector<16xi32>
      %parallel_loop3A_85 = arith.constant dense<true> : vector<16xi1>
      %parallel_loop3A_86, %parallel_loop3A_87, %parallel_loop3A_88 = tpu.sort %parallel_loop3A_83, %parallel_loop3A_84 masked %parallel_loop3A_85 {descending = true} : (vector<16xf32>, vector<16xi32>, vector<16xi1>) -> (vector<16xi1>, vector<16xf32>, vector<16xi32>)
      %parallel_loop3A_89 = arith.constant 15 : i32
      %parallel_loop3A_90 = vector.broadcast %parallel_loop3A_89 : i32 to vector<16xi32>
      %parallel_loop3A_91 = tpu.iota {dimensions = array<i32: 0>} : vector<16xi32>
      %parallel_loop3A_92 = arith.subi %parallel_loop3A_90, %parallel_loop3A_91 : vector<16xi32>
      %parallel_loop3A_93 = tpu.dynamic_gather %parallel_loop3A_70[%parallel_loop3A_92] in [0] : vector<16xf32>, vector<16xi32> -> vector<16xf32>
      %parallel_loop3A_94 = arith.constant 15 : i32
      %parallel_loop3A_95 = vector.broadcast %parallel_loop3A_94 : i32 to vector<16xi32>
      %parallel_loop3A_96 = tpu.iota {dimensions = array<i32: 0>} : vector<16xi32>
      %parallel_loop3A_97 = arith.subi %parallel_loop3A_95, %parallel_loop3A_96 : vector<16xi32>
      %parallel_loop3A_98 = tpu.dynamic_gather %parallel_loop3A_71[%parallel_loop3A_97] in [0] : vector<16xi32>, vector<16xi32> -> vector<16xi32>
      %parallel_loop3A_99 = arith.cmpf oge, %parallel_loop3A_65, %parallel_loop3A_93 : vector<16xf32>
      %parallel_loop3A_100 = arith.select %parallel_loop3A_99, %parallel_loop3A_65, %parallel_loop3A_93 : vector<16xi1>, vector<16xf32>
      %parallel_loop3A_101 = arith.select %parallel_loop3A_99, %parallel_loop3A_66, %parallel_loop3A_98 : vector<16xi1>, vector<16xi32>
      %parallel_loop3A_102 = arith.constant dense<true> : vector<16xi1>
      %parallel_loop3A_103, %parallel_loop3A_104, %parallel_loop3A_105 = tpu.sort %parallel_loop3A_100, %parallel_loop3A_101 masked %parallel_loop3A_102 {descending = true} : (vector<16xf32>, vector<16xi32>, vector<16xi1>) -> (vector<16xi1>, vector<16xf32>, vector<16xi32>)
      %parallel_loop3A_106 = arith.constant 15 : i32
      %parallel_loop3A_107 = vector.broadcast %parallel_loop3A_106 : i32 to vector<16xi32>
      %parallel_loop3A_108 = tpu.iota {dimensions = array<i32: 0>} : vector<16xi32>
      %parallel_loop3A_109 = arith.subi %parallel_loop3A_107, %parallel_loop3A_108 : vector<16xi32>
      %parallel_loop3A_110 = tpu.dynamic_gather %parallel_loop3A_104[%parallel_loop3A_109] in [0] : vector<16xf32>, vector<16xi32> -> vector<16xf32>
      %parallel_loop3A_111 = arith.constant 15 : i32
      %parallel_loop3A_112 = vector.broadcast %parallel_loop3A_111 : i32 to vector<16xi32>
      %parallel_loop3A_113 = tpu.iota {dimensions = array<i32: 0>} : vector<16xi32>
      %parallel_loop3A_114 = arith.subi %parallel_loop3A_112, %parallel_loop3A_113 : vector<16xi32>
      %parallel_loop3A_115 = tpu.dynamic_gather %parallel_loop3A_105[%parallel_loop3A_114] in [0] : vector<16xi32>, vector<16xi32> -> vector<16xi32>
      %parallel_loop3A_116 = arith.cmpf oge, %parallel_loop3A_87, %parallel_loop3A_110 : vector<16xf32>
      %parallel_loop3A_117 = arith.select %parallel_loop3A_116, %parallel_loop3A_87, %parallel_loop3A_110 : vector<16xi1>, vector<16xf32>
      %parallel_loop3A_118 = arith.select %parallel_loop3A_116, %parallel_loop3A_88, %parallel_loop3A_115 : vector<16xi1>, vector<16xi32>
      %parallel_loop3A_119 = arith.constant dense<true> : vector<16xi1>
      %parallel_loop3A_120, %parallel_loop3A_121, %parallel_loop3A_122 = tpu.sort %parallel_loop3A_117, %parallel_loop3A_118 masked %parallel_loop3A_119 {descending = true} : (vector<16xf32>, vector<16xi32>, vector<16xi1>) -> (vector<16xi1>, vector<16xf32>, vector<16xi32>)
      %parallel_loop3A_123 = arith.constant true
      %parallel_loop3A_124 = vector.broadcast %parallel_loop3A_123 : i1 to vector<16xi1>
      %parallel_loop3A_125 = tpu.scan <max>, %parallel_loop3A_121 masked %parallel_loop3A_124 : vector<16xf32>, vector<16xi1> -> vector<16xf32>
      %parallel_loop3A_126 = vector.extract %parallel_loop3A_125[15] : f32 from vector<16xf32>
      %parallel_loop3A_127 = vector.broadcast %parallel_loop3A_126 : f32 to vector<16xf32>
      %parallel_loop3A_128 = arith.subf %parallel_loop3A_121, %parallel_loop3A_127 : vector<16xf32>
      %parallel_loop3A_129 = math.exp %parallel_loop3A_128 : vector<16xf32>
      %parallel_loop3A_130 = arith.constant 0.000000e+00 : f32
      %parallel_loop3A_131 = vector.broadcast %parallel_loop3A_130 : f32 to vector<16xf32>
      %parallel_loop3A_132 = arith.select %lt3A_35, %parallel_loop3A_129, %parallel_loop3A_131 : vector<16xi1>, vector<16xf32>
      %parallel_loop3A_133 = arith.constant true
      %parallel_loop3A_134 = vector.broadcast %parallel_loop3A_133 : i1 to vector<16xi1>
      %parallel_loop3A_135 = tpu.scan <sum>, %parallel_loop3A_132 masked %parallel_loop3A_134 : vector<16xf32>, vector<16xi1> -> vector<16xf32>
      %parallel_loop3A_136 = vector.extract %parallel_loop3A_135[15] : f32 from vector<16xf32>
      %parallel_loop3A_137 = vector.broadcast %parallel_loop3A_136 : f32 to vector<16xf32>
      %parallel_loop3A_138 = arith.divf %parallel_loop3A_132, %parallel_loop3A_137 : vector<16xf32>
      tpu.vector_store_idx %arg6[%iota3A, %parallel_loop3A_51], %parallel_loop3A_138 masked %lt3A_35 : memref<8x256xf32, #tpu.memory_space<vmem>>[vector<16xi32>, vector<16xi32>], vector<16xf32>, vector<16xi1>
      tpu.vector_store_idx %arg7[%iota3A, %parallel_loop3A_51], %parallel_loop3A_122 masked %lt3A_35 : memref<8x256xi32, #tpu.memory_space<vmem>>[vector<16xi32>, vector<16xi32>], vector<16xi32>, vector<16xi1>
    } {sc.loop_unroll_factor = 4 : i64, sc.parallel_access}
    "tpu.region"() ({
      %run_scoped3A = tpu.sem_alloc : memref<!tpu.dma_semaphore, #tpu.memory_space<semaphore_mem>>
      %dma_start3A = arith.constant 0 : i32
      %dma_start3A_50 = tpu.memref_slice %arg3[%select_n3A, %dma_start3A, %mul3A_32] : memref<2x8x4096xf32, #tpu.memory_space<hbm>> -> memref<1x8x256xf32, #tpu.memory_space<hbm>>
      %dma_start3A_51 = tpu.memref_squeeze %dma_start3A_50 : memref<1x8x256xf32, #tpu.memory_space<hbm>> -> memref<8x256xf32, #tpu.memory_space<hbm>>
      %dma_start3A_52 = arith.constant 0 : i32
      %dma_start3A_53 = tpu.memref_slice %arg3[%select_n3A, %dma_start3A_52, %mul3A_32] : memref<2x8x4096xf32, #tpu.memory_space<hbm>> -> memref<1x8x256xf32, #tpu.memory_space<hbm>>
      %dma_start3A_54 = tpu.memref_squeeze %dma_start3A_53 : memref<1x8x256xf32, #tpu.memory_space<hbm>> -> memref<8x256xf32, #tpu.memory_space<hbm>>
      tpu.enqueue_dma source(%arg6 : memref<8x256xf32, #tpu.memory_space<vmem>>) target(%dma_start3A_54 : memref<8x256xf32, #tpu.memory_space<hbm>>) target_semaphore(%run_scoped3A : memref<!tpu.dma_semaphore, #tpu.memory_space<semaphore_mem>>)
      %dma_wait3A = arith.constant 0 : i32
      %dma_wait3A_55 = tpu.memref_slice %arg3[%select_n3A, %dma_wait3A, %mul3A_32] : memref<2x8x4096xf32, #tpu.memory_space<hbm>> -> memref<1x8x256xf32, #tpu.memory_space<hbm>>
      %dma_wait3A_56 = tpu.memref_squeeze %dma_wait3A_55 : memref<1x8x256xf32, #tpu.memory_space<hbm>> -> memref<8x256xf32, #tpu.memory_space<hbm>>
      %dma_wait3A_57 = arith.constant 0 : i32
      %dma_wait3A_58 = tpu.memref_slice %arg3[%select_n3A, %dma_wait3A_57, %mul3A_32] : memref<2x8x4096xf32, #tpu.memory_space<hbm>> -> memref<1x8x256xf32, #tpu.memory_space<hbm>>
      %dma_wait3A_59 = tpu.memref_squeeze %dma_wait3A_58 : memref<1x8x256xf32, #tpu.memory_space<hbm>> -> memref<8x256xf32, #tpu.memory_space<hbm>>
      tpu.wait_dma2 semaphore(%run_scoped3A : memref<!tpu.dma_semaphore, #tpu.memory_space<semaphore_mem>>) src(%arg6 : memref<8x256xf32, #tpu.memory_space<vmem>>) dst(%dma_wait3A_59 : memref<8x256xf32, #tpu.memory_space<hbm>>)
      tpu.yield
    }) : () -> ()
    "tpu.region"() ({
      %run_scoped3A = tpu.sem_alloc : memref<!tpu.dma_semaphore, #tpu.memory_space<semaphore_mem>>
      %dma_start3A = arith.constant 0 : i32
      %dma_start3A_50 = tpu.memref_slice %arg4[%select_n3A, %dma_start3A, %mul3A_32] : memref<2x8x4096xi32, #tpu.memory_space<hbm>> -> memref<1x8x256xi32, #tpu.memory_space<hbm>>
      %dma_start3A_51 = tpu.memref_squeeze %dma_start3A_50 : memref<1x8x256xi32, #tpu.memory_space<hbm>> -> memref<8x256xi32, #tpu.memory_space<hbm>>
      %dma_start3A_52 = arith.constant 0 : i32
      %dma_start3A_53 = tpu.memref_slice %arg4[%select_n3A, %dma_start3A_52, %mul3A_32] : memref<2x8x4096xi32, #tpu.memory_space<hbm>> -> memref<1x8x256xi32, #tpu.memory_space<hbm>>
      %dma_start3A_54 = tpu.memref_squeeze %dma_start3A_53 : memref<1x8x256xi32, #tpu.memory_space<hbm>> -> memref<8x256xi32, #tpu.memory_space<hbm>>
      tpu.enqueue_dma source(%arg7 : memref<8x256xi32, #tpu.memory_space<vmem>>) target(%dma_start3A_54 : memref<8x256xi32, #tpu.memory_space<hbm>>) target_semaphore(%run_scoped3A : memref<!tpu.dma_semaphore, #tpu.memory_space<semaphore_mem>>)
      %dma_wait3A = arith.constant 0 : i32
      %dma_wait3A_55 = tpu.memref_slice %arg4[%select_n3A, %dma_wait3A, %mul3A_32] : memref<2x8x4096xi32, #tpu.memory_space<hbm>> -> memref<1x8x256xi32, #tpu.memory_space<hbm>>
      %dma_wait3A_56 = tpu.memref_squeeze %dma_wait3A_55 : memref<1x8x256xi32, #tpu.memory_space<hbm>> -> memref<8x256xi32, #tpu.memory_space<hbm>>
      %dma_wait3A_57 = arith.constant 0 : i32
      %dma_wait3A_58 = tpu.memref_slice %arg4[%select_n3A, %dma_wait3A_57, %mul3A_32] : memref<2x8x4096xi32, #tpu.memory_space<hbm>> -> memref<1x8x256xi32, #tpu.memory_space<hbm>>
      %dma_wait3A_59 = tpu.memref_squeeze %dma_wait3A_58 : memref<1x8x256xi32, #tpu.memory_space<hbm>> -> memref<8x256xi32, #tpu.memory_space<hbm>>
      tpu.wait_dma2 semaphore(%run_scoped3A : memref<!tpu.dma_semaphore, #tpu.memory_space<semaphore_mem>>) src(%arg7 : memref<8x256xi32, #tpu.memory_space<vmem>>) dst(%dma_wait3A_59 : memref<8x256xi32, #tpu.memory_space<hbm>>)
      tpu.yield
    }) : () -> ()
    return
  }
}

module attributes {stable_mosaic.version = 14 : i64} {
  func.func @_matmul_body(%arg0: i32, %arg1: i32, %arg2: memref<1x1024x2048xf32, #tpu.memory_space<vmem>>, %arg3: memref<64x2048xf32, #tpu.memory_space<vmem>>, %arg4: memref<1x64x1024xf32, #tpu.memory_space<vmem>>) attributes {dimension_semantics = [#tpu.dimension_semantics<arbitrary>, #tpu.dimension_semantics<arbitrary>], iteration_bounds = array<i64: 2, 4>, scalar_prefetch = 0 : i64, scratch_operands = 0 : i64, tpu.core_type = #tpu.core_type<tc>, window_params = [{transform_indices = @transform_0, window_bounds = array<i64: 1, 1024, 2048>}, {pipeline_mode = #tpu.pipeline_mode<synchronous>, transform_indices = @transform_1, window_bounds = array<i64: 64, 2048>}, {transform_indices = @transform_2, window_bounds = array<i64: 1, 64, 1024>}]} {
    %get3A = arith.constant 0 : index
    %get3A_0 = arith.constant 0 : index
    %get3A_1 = vector.load %arg3[%get3A, %get3A_0] : memref<64x2048xf32, #tpu.memory_space<vmem>>, vector<64x2048xf32>
    %get3A_2 = arith.constant 0 : index
    %get3A_3 = arith.constant 0 : index
    %get3A_4 = arith.constant 0 : index
    %get3A_5 = vector.load %arg2[%get3A_2, %get3A_3, %get3A_4] : memref<1x1024x2048xf32, #tpu.memory_space<vmem>>, vector<1x1024x2048xf32>
    %get3A_6 = vector.shape_cast %get3A_5 : vector<1x1024x2048xf32> to vector<1024x2048xf32>
    %dot_general3A = arith.constant dense<0.000000e+00> : vector<64x1024xf32>
    %dot_general3A_7 = tpu.matmul %get3A_1, %get3A_6, %dot_general3A {dimension_numbers = #tpu.dot_dimension_numbers<[1], [1], [0], [0], [0, 0, 1, 0], [], []>, transpose_lhs_hint = false} : vector<64x2048xf32>, vector<1024x2048xf32>, vector<64x1024xf32> -> vector<64x1024xf32>
    %swap3A = arith.constant 0 : index
    %swap3A_8 = arith.constant 0 : index
    %swap3A_9 = arith.constant 0 : index
    %swap3A_10 = vector.load %arg4[%swap3A, %swap3A_8, %swap3A_9] : memref<1x64x1024xf32, #tpu.memory_space<vmem>>, vector<1x64x1024xf32>
    %swap3A_11 = vector.shape_cast %swap3A_10 : vector<1x64x1024xf32> to vector<64x1024xf32>
    %swap3A_12 = vector.shape_cast %dot_general3A_7 : vector<64x1024xf32> to vector<1x64x1024xf32>
    tpu.vector_store %arg4[%swap3A, %swap3A_8, %swap3A_9], %swap3A_12 {strides = array<i32>} : memref<1x64x1024xf32, #tpu.memory_space<vmem>>, vector<1x64x1024xf32>,
    return
  }
  func.func @transform_0(%arg0: i32, %arg1: i32) -> (i32, i32, i32) {
    %add3A = arith.constant 2 : i32
    %add3A_0 = arith.addi %arg0, %add3A : i32
    %c0_i32 = arith.constant 0 : i32
    %c0_i32_1 = arith.constant 0 : i32
    return %add3A_0, %arg1, %c0_i32 : i32, i32, i32
  }
  func.func @transform_1(%arg0: i32, %arg1: i32) -> (i32, i32) {
    %c0_i32 = arith.constant 0 : i32
    %c0_i32_0 = arith.constant 0 : i32
    %c0_i32_1 = arith.constant 0 : i32
    return %c0_i32, %c0_i32_0 : i32, i32
  }
  func.func @transform_2(%arg0: i32, %arg1: i32) -> (i32, i32, i32) {
    %c0_i32 = arith.constant 0 : i32
    %c0_i32_0 = arith.constant 0 : i32
    return %arg0, %c0_i32, %arg1 : i32, i32, i32
  }
}

module attributes {stable_mosaic.version = 14 : i64} {
  func.func @_matmul_body(%arg0: i32, %arg1: i32, %arg2: memref<1x1024x2048xf32, #tpu.memory_space<vmem>>, %arg3: memref<64x2048xf32, #tpu.memory_space<vmem>>, %arg4: memref<1x64x1024xf32, #tpu.memory_space<vmem>>) attributes {dimension_semantics = [#tpu.dimension_semantics<arbitrary>, #tpu.dimension_semantics<arbitrary>], iteration_bounds = array<i64: 2, 4>, scalar_prefetch = 0 : i64, scratch_operands = 0 : i64, tpu.core_type = #tpu.core_type<tc>, window_params = [{transform_indices = @transform_0, window_bounds = array<i64: 1, 1024, 2048>}, {pipeline_mode = #tpu.pipeline_mode<synchronous>, transform_indices = @transform_1, window_bounds = array<i64: 64, 2048>}, {transform_indices = @transform_2, window_bounds = array<i64: 1, 64, 1024>}]} {
    %get3A = arith.constant 0 : index
    %get3A_0 = arith.constant 0 : index
    %get3A_1 = vector.load %arg3[%get3A, %get3A_0] : memref<64x2048xf32, #tpu.memory_space<vmem>>, vector<64x2048xf32>
    %get3A_2 = arith.constant 0 : index
    %get3A_3 = arith.constant 0 : index
    %get3A_4 = arith.constant 0 : index
    %get3A_5 = vector.load %arg2[%get3A_2, %get3A_3, %get3A_4] : memref<1x1024x2048xf32, #tpu.memory_space<vmem>>, vector<1x1024x2048xf32>
    %get3A_6 = vector.shape_cast %get3A_5 : vector<1x1024x2048xf32> to vector<1024x2048xf32>
    %dot_general3A = arith.constant dense<0.000000e+00> : vector<64x1024xf32>
    %dot_general3A_7 = tpu.matmul %get3A_1, %get3A_6, %dot_general3A {dimension_numbers = #tpu.dot_dimension_numbers<[1], [1], [0], [0], [0, 0, 1, 0], [], []>, transpose_lhs_hint = false} : vector<64x2048xf32>, vector<1024x2048xf32>, vector<64x1024xf32> -> vector<64x1024xf32>
    %swap3A = arith.constant 0 : index
    %swap3A_8 = arith.constant 0 : index
    %swap3A_9 = arith.constant 0 : index
    %swap3A_10 = vector.load %arg4[%swap3A, %swap3A_8, %swap3A_9] : memref<1x64x1024xf32, #tpu.memory_space<vmem>>, vector<1x64x1024xf32>
    %swap3A_11 = vector.shape_cast %swap3A_10 : vector<1x64x1024xf32> to vector<64x1024xf32>
    %swap3A_12 = vector.shape_cast %dot_general3A_7 : vector<64x1024xf32> to vector<1x64x1024xf32>
    tpu.vector_store %arg4[%swap3A, %swap3A_8, %swap3A_9], %swap3A_12 {strides = array<i32>} : memref<1x64x1024xf32, #tpu.memory_space<vmem>>, vector<1x64x1024xf32>,
    return
  }
  func.func @transform_0(%arg0: i32, %arg1: i32) -> (i32, i32, i32) {
    %add3A = arith.constant 0 : i32
    %add3A_0 = arith.addi %arg0, %add3A : i32
    %c0_i32 = arith.constant 0 : i32
    %c0_i32_1 = arith.constant 0 : i32
    return %add3A_0, %arg1, %c0_i32 : i32, i32, i32
  }
  func.func @transform_1(%arg0: i32, %arg1: i32) -> (i32, i32) {
    %c0_i32 = arith.constant 0 : i32
    %c0_i32_0 = arith.constant 0 : i32
    %c0_i32_1 = arith.constant 0 : i32
    return %c0_i32, %c0_i32_0 : i32, i32
  }
  func.func @transform_2(%arg0: i32, %arg1: i32) -> (i32, i32, i32) {
    %c0_i32 = arith.constant 0 : i32
    %c0_i32_0 = arith.constant 0 : i32
    return %arg0, %c0_i32, %arg1 : i32, i32, i32
  }
}

</mosaic_0001>

<sc_bundles>
// kernel: kernel.6.cloned.1.call-start
scs
__scs_entry_jumppad:
0x0: {  	(pc) =	sbr.rel $0x88, $3  }
0x1: {  	(tag) =	ssettag $0x0;
	lr =	simm.s32 $0x1  }
0x2: {  	[smem:$0x3F9F] =	sst lr;
	_ =	strace $0xD0000000  }
0x3: {  	_ = 	snop  }
0x4: {  	_ = 	snop  }
0x5: {  	_ = 	snop  }
0x6: {  	_ = 	snop  }
0x7: {  	_ = 	snop  }
__scs_overlays_trampoline_lowered:
0x8: {  	[smem:$0x3FAE] =	sst s0  }
0x9: {  	[smem:$0x3FAF] =	sst s1  }
0xa: {  	[smem:$0x3FB0] =	sst s2  }
0xb: {  	[smem:$0x3FB1] =	sst s3  }
0xc: {  	[smem:$0x3FB2] =	sst s4  }
0xd: {  	[smem:$0x3FB3] =	sst s5  }
0xe: {  	[smem:$0x3FB4] =	sst s6  }
0xf: {  	[smem:$0x3FB5] =	sst s7  }
0x10: {  	[smem:$0x3FB6] =	sst s8  }
0x11: {  	[smem:$0x3FB7] =	sst s9;
	s0 =	simm.s32 @!p0 $0x0  }
0x12: {  	s1 =	sld [smem:$0x3F9D];
	s0 =	simm.s32 @p0 $0x1  }
0x13: {  	[smem:$0x3FB8] =	sst s0;
	s0 =	simm.s32 @!p1 $0x0  }
0x14: {  	s2 =	sld [smem:$0x3F9C];
	s0 =	simm.s32 @p1 $0x1  }
0x15: {  	[smem:$0x3FB9] =	sst s0;
	s0 =	simm.s32 @!p2 $0x0  }
0x16: {  	s3 =	sld [smem:$0x3FDB];
	s0 =	simm.s32 @p2 $0x1  }
0x17: {  	s4 =	simm.s32 $0x1BF5;
	[smem:$0x3FBB] =	sst s0  }
0x18: {  	s0 =	sld [smem:$0x3F9E];
	_ =	swait.ge [sflag:s4], $0x0  }
0x19: {  	s7 =	sld [smem:$0x3F9F]  }
0x1a: {  	s8 =	sadd.s32 $0xFFFFE003, lr  }
0x1b: {  	s9 =	sadd.s32 $0xFFFFFEF7, lr;
	s5 =	simm.s32 $0xFFFFFFFF;
	p2 =	slt.u32 s8, $0xFFFFF086  }
0x1c: {  	p1 =	slt.u32 s9, $0xF7A;
	s5 =	simm.s32 @!p2 $0x0  }
0x1d: {  	s5 =	simm.s32 @p1 $0x1;
	p0 =	seq.s32 s7, s2  }
0x1e: {  	s7 =	smul.u32 @!p0 $0xF7A, s2;
	p2 =	seq.s32 @!p0 s5, $0x0  }
0x1f: {  	s9 =	smul.u32 $0xF7A, s1;
	s8 =	simm.s32 @!p0 $0x1BF5;
	p2 =	por !p2, p0  }
0x20: {  	[sflag:s8] =	ssyncset.s32 @!p0 $0xFFFFF086;
	s6 =	sadd.s32 @!p0 s3, s7;
	s7 =	simm.s32 @!p0 $0x108  }
0x21: {  	s3 =	sadd.s32 s3, s9;
	s6 =	sadd.s32 @!p0 $0x88, s6;
	s7 =	simm.s32 @p2 $0x1082  }
0x22: {  	[simem:s7], [sflag:s8] =	dma.local @!p0 [hbm:s6], $0xF7A  }
0x23: {  	s9 =	sor.u32 $0xD0000000, s2;
	s6 =	simm.s32 $0x108;
	_ =	swait.ge @!p0 [sflag:s8], $0x0  }
0x24: {  	s3 =	sadd.s32 $0x88, s3;
	s6 =	simm.s32 @!p1 $0x1082;
	[sflag:s4] =	ssyncset.s32 $0xFFFFF086  }
0x25: {  	[simem:s6], [sflag:s4] =	dma.local [hbm:s3], $0xF7A  }
0x26: {  	[smem:$0x3F9F] =	sst s1;
	(tag) =	ssettag s2;
	_ =	strace s9  }
0x27: {  	s1 =	sld [smem:$0x3FAF]  }
0x28: {  	s2 =	sld [smem:$0x3FB0]  }
0x29: {  	s4 =	sld [smem:$0x3FB2]  }
0x2a: {  	p0 =	seq.s32 s5, $0x0;
	s5 =	sld [smem:$0x3FB3]  }
0x2b: {  	s6 =	sld [smem:$0x3FB4]  }
0x2c: {  	s7 =	sld [smem:$0x3FB5]  }
0x2d: {  	s3 =	simm.s32 $0x108;
	s8 =	sld [smem:$0x3FB6]  }
0x2e: {  	s3 =	simm.s32 @!p0 $0x1082;
	s9 =	sld [smem:$0x3FB7]  }
0x2f: {  	lr =	sadd.s32 s0, s3;
	s0 =	sld [smem:$0x3FAE]  }
0x30: {  	s3 =	sld [smem:$0x3FB1]  }
0x31: {  	[smem:$0x3FBA] =	sst s10  }
0x32: {  	s10 =	sld [smem:$0x3FB8];
	_ =	sdelay $0x3  }
0x33: {  	p0 =	seq.s32 s10, $0x1;
	s10 =	sld [smem:$0x3FBA];
	_ =	sdelay $0x3  }
0x34: {  	[smem:$0x3FBA] =	sst s10  }
0x35: {  	s10 =	sld [smem:$0x3FB9];
	_ =	sdelay $0x3  }
0x36: {  	p1 =	seq.s32 s10, $0x1;
	s10 =	sld [smem:$0x3FBA];
	_ =	sdelay $0x3  }
0x37: {  	[smem:$0x3FBA] =	sst s10  }
0x38: {  	s10 =	sld [smem:$0x3FBB]  }
0x39: {  	_ = 	snop;
	(pc) =	sbr.ind lr, $3  }
0x3a: {  	_ = 	snop  }
0x3b: {  	_ = 	snop  }
0x3c: {  	p2 =	seq.s32 s10, $0x1;
	s10 =	sld [smem:$0x3FBA]  }
0x3d: {  	_ =	shalt  }
0x3e: {  	_ =	shalt  }
0x3f: {  	_ =	shalt  }
0x40: {  	_ =	shalt  }
0x41: {  	_ =	shalt  }
0x42: {  	_ =	shalt  }
0x43: {  	_ =	shalt  }
0x44: {  	_ =	shalt  }
0x45: {  	_ =	shalt  }
0x46: {  	_ =	shalt  }
0x47: {  	_ =	shalt  }
0x48: {  	_ =	shalt  }
0x49: {  	_ =	shalt  }
0x4a: {  	_ =	shalt  }
0x4b: {  	_ =	shalt  }
0x4c: {  	_ =	shalt  }
0x4d: {  	_ =	shalt  }
0x4e: {  	_ =	shalt  }
0x4f: {  	_ =	shalt  }
0x50: {  	_ =	shalt  }
0x51: {  	_ =	shalt  }
0x52: {  	_ =	shalt  }
0x53: {  	_ =	shalt  }
0x54: {  	_ =	shalt  }
0x55: {  	_ =	shalt  }
0x56: {  	_ =	shalt  }
0x57: {  	_ =	shalt  }
0x58: {  	_ =	shalt  }
0x59: {  	_ =	shalt  }
0x5a: {  	_ =	shalt  }
0x5b: {  	_ =	shalt  }
0x5c: {  	_ =	shalt  }
0x5d: {  	_ =	shalt  }
0x5e: {  	_ =	shalt  }
0x5f: {  	_ =	shalt  }
0x60: {  	_ =	shalt  }
0x61: {  	_ =	shalt  }
0x62: {  	_ =	shalt  }
0x63: {  	_ =	shalt  }
0x64: {  	_ =	shalt  }
0x65: {  	_ =	shalt  }
0x66: {  	_ =	shalt  }
0x67: {  	_ =	shalt  }
0x68: {  	_ =	shalt  }
0x69: {  	_ =	shalt  }
0x6a: {  	_ =	shalt  }
0x6b: {  	_ =	shalt  }
0x6c: {  	_ =	shalt  }
0x6d: {  	_ =	shalt  }
0x6e: {  	_ =	shalt  }
0x6f: {  	_ =	shalt  }
0x70: {  	_ =	shalt  }
0x71: {  	_ =	shalt  }
0x72: {  	_ =	shalt  }
0x73: {  	_ =	shalt  }
0x74: {  	_ =	shalt  }
0x75: {  	_ =	shalt  }
0x76: {  	_ =	shalt  }
0x77: {  	_ =	shalt  }
0x78: {  	_ =	shalt  }
0x79: {  	_ =	shalt  }
0x7a: {  	_ =	shalt  }
0x7b: {  	_ =	shalt  }
0x7c: {  	_ =	shalt  }
0x7d: {  	_ =	shalt  }
0x7e: {  	_ =	shalt  }
0x7f: {  	_ =	shalt  }
0x80: {  	_ =	shalt  }
0x81: {  	_ =	shalt  }
0x82: {  	_ =	shalt  }
0x83: {  	_ =	shalt  }
0x84: {  	_ =	shalt  }
0x85: {  	_ =	shalt  }
0x86: {  	_ =	shalt  }
0x87: {  	_ =	shalt  }
.Lfunc_end0:
.L_simem_size_0:
called_computation_lowered:
.L_overlay_start_0:
0x88: {  	s2 =	sld [smem:$0x3FD9]  }
0x89: {  	s3 =	sld [smem:$0x3FFE];
	_ =	sdelay $0x1  }
0x8a: {  	s1 =	srdreg.scid  }
0x8b: {  	s0 =	sand.u32 $0x1, s1  }
0x8c: {  	s15 =	sshll.u32 s0, $0xA;
	s2 =	sadd.s32 s3, s2  }
0x8d: {  	s2 =	sadd.s32 s2, s15  }
0x8e: {  	[smem:$0x3FC6] =	sst s2  }
0x8f: {  	_ = 	snop  }
0x90: {  	s2 =	sld [smem:$0x3FD0];
	_ =	sdelay $0x2  }
0x91: {  	s16 =	simm.s32 $0xB;
	s4 =	simm.s32 $0x10  }
0x92: {  	[smem:s4], [sflag:s16] =	dma.local [hbm:s2], $0x1  }
0x93: {  	_ =	swait.eq [sflag:s16], $0x1  }
0x94: {  	[sflag:s16] =	ssyncset.done $0x0  }
0x95: {  	[sflag:s16] =	ssyncadd.s32 $0xFFFFFFFF  }
0x96: {  	s17 =	sld [smem:$0x12];
	(tm) =	ssettm $0x1  }
0x97: {  	s18 =	sld [smem:$0x3FFB];
	_ =	sdelay $0x3  }
0x98: {  	_ =	strace s18  }
0x99: {  	s2 =	sld [smem:$0x3FFC];
	_ =	sdelay $0x3  }
0x9a: {  	_ =	strace s2  }
0x9b: {  	s2 =	sld [smem:$0x3FFD];
	_ =	sdelay $0x3  }
0x9c: {  	_ =	strace s2  }
0x9d: {  	_ =	strace $0x8FFFFFFF  }
0x9e: {  	s19 =	sld [smem:$0x3FDB];
	_ =	sdelay $0x1  }
0x9f: {  	s20 =	simm.s32 $_scs_section_size  }
0xa0: {  	s5 =	simm.s32 $_size__tile_overlayer_lowered;
	s6 =	simm.s32 $_tile_overlayer_lowered  }
0xa1: {  	s7 =	simm.s32 $0x1BFF;
	s21 =	sshll.u32 s6, $0x1;
	s4 =	sadd.s32 s20, s19  }
0xa2: {  	s22 =	simm.s32 $0x0;
	s5 =	sshll.u32 s5, $0x1;
	s6 =	sadd.s32 s21, s4  }
0xa3: {  	[timem:s22], [sflag:s7] =	dma.local [hbm:s6], s5  }
0xa4: {  	_ =	swait.ge [sflag:s7], s5  }
0xa5: {  	s5 =	ssub.s32 $0x0, s5;
	[sflag:s7] =	ssyncset.done $0x0  }
0xa6: {  	[sflag:s7] =	ssyncadd.s32 s5;
	_ =	sdelay $0x1  }
0xa7: {  	s23 =	simm.s32 $0x1B8B  }
0xa8: {  	_ =	swait.ge [sflag:s23], $0x1  }
0xa9: {  	[sflag:s23] =	ssyncset.done $0x0  }
0xaa: {  	[sflag:s23] =	ssyncadd.s32 $0xFFFFFFFF  }
0xab: {  	s5 =	sld [smem:$0x0]  }
0xac: {  	s6 =	sand.u32 $0xFFFFFFFE, s1  }
0xad: {  	p0 =	sne.s32 s1, s6  }
0xae: {  	s6 =	sshll.u32 @p0 s6, $0xE  }
0xaf: {  	s6 =	sadd.s32 @p0 $0x11B8D, s6;
	s7 =	sshll.u32 @p0 s5, $0x11  }
0xb0: {  	s6 =	sor.u32 @p0 s7, s6  }
0xb1: {  	[sflag:s6] =	ssyncadd.remote.s32 @p0 $0x1;
	_ =	sdelay $0x1  }
0xb2: {  	s6 =	simm.s32 @p0 $0x1B8D  }
0xb3: {  	_ =	swait.eq @p0 [sflag:s6], $0x1  }
0xb4: {  	[sflag:s6] =	ssyncadd.s32 @p0 $0xFFFFFFFF  }
0xb5: {  	s7 =	sshll.u32 @!p0 s1, $0xE  }
0xb6: {  	s7 =	sor.u32 @!p0 $0x4000, s7;
	s6 =	simm.s32 @!p0 $0x1B8D  }
0xb7: {  	s5 =	sshll.u32 @!p0 s5, $0x11;
	s7 =	sadd.s32 @!p0 $0x11B8D, s7;
	_ =	swait.eq @!p0 [sflag:s6], $0x1  }
0xb8: {  	s5 =	sor.u32 @!p0 s5, s7;
	[sflag:s6] =	ssyncadd.s32 @!p0 $0xFFFFFFFF  }
0xb9: {  	s25 =	simm.s32 $0x1B8E;
	s24 =	sld [smem:$0x3FFE];
	[sflag:s5] =	ssyncadd.remote.s32 @!p0 $0x1  }
0xba: {  	s26 =	simm.s32 $execute0_lowered;
	[smem:$0x3FD2] =	sst s25  }
0xbb: {  	s6 =	sshll.u32 s26, $0x1;
	_ =	strace $0x80000049;
	[dreg:$0x1] =	wrdreg $0xFFFFFFFF  }
0xbc: {  	s28 =	simm.s32 $_size_execute0_lowered;
	s4 =	sadd.s32 s4, s6;
	[dreg:$0x0] =	wrdreg $0x0  }
0xbd: {  	s6 =	sshll.u32 s28, $0x1;
	[dreg:$0x2] =	wrdreg s4  }
0xbe: {  	[dreg:$0x3] =	wrdreg s6  }
0xbf: {  	[dreg:$0x4] =	wrdreg $0xC0  }
0xc0: {  	_ =	task [dreg:s22], $0x5FFFF  }
0xc1: {  	[dreg:$0x1] =	wrdreg $0xFFFFFFFF  }
0xc2: {  	[dreg:$0x0] =	wrdreg $0x60  }
0xc3: {  	[dreg:$0x2] =	wrdreg s24  }
0xc4: {  	[dreg:$0x3] =	wrdreg s17  }
0xc5: {  	[dreg:$0x4] =	wrdreg $0x9  }
0xc6: {  	_ =	task.clear_ibuf [dreg:s22], $0x5FFFF;
	_ =	strace $0x90000049  }
0xc7: {  	s29 =	simm.s32 $0x9;
	_ =	strace $0x8000004B  }
0xc8: {  	_ =	swait.ge [sflag:s29], $0x1  }
0xc9: {  	[sflag:s29] =	ssyncadd.s32 $0xFFFFFFFF  }
0xca: {  	_ =	strace $0x9000004B  }
0xcb: {  	_ =	sfence  }
0xcc: {  	s30 =	sld [smem:$0x0];
	_ =	sdelay $0x2  }
0xcd: {  	s31 =	sshll.u32 s1, $0xD;
	s1 =	sshrl.u32 s1, $0x2  }
0xce: {  	s4 =	sand.u32 $0x4000, s31;
	s1 =	sadd.s32 s1, s30  }
0xcf: {  	s0 =	sor.u32 s4, s0;
	s1 =	sshll.u32 s1, $0x11  }
0xd0: {  	s0 =	sor.u32 s1, s0  }
0xd1: {  	s0 =	sadd.s32 $0x8F2B, s0  }
0xd2: {  	[sflag:s0] =	ssyncadd.remote.s32 $0x1  }
0xd3: {  	_ =	sfence.sel $0xFFFF  }
0xd4: {  	[dreg:$0x0] =	wrdreg $0xFFFFFFFF;
	(pc) =	sbr.abs _section_cstart, $3  }
0xd5: {  	[dreg:$0x1] =	wrdreg $0xFFFFFFFF  }
0xd6: {  	_ =	task.clear_ibuf [dreg:s22], $0x2FFFF;
	_ =	strace $0x9FFFFFFF  }
0xd7: {  	(tm) =	ssettm $0x7FFFFFFF  }
tec
execute0_lowered:
.L_overlay_start_1:
0x0: {  	(tag) =	ssettag $0x1  }
0x1: {  	v0 =	vimm.s32 $0xB80;
	vm14 =	vcmask $0x300  }
0x2: {  	vm13 =	vcmask $0x704;
	vm12 =	vcmask $0xB08;
	vm11 =	vcmask $0xF0C  }
0x3: {  	vm10 =	vcmask $0x1310;
	vm9 =	vcmask $0x1714;
	vm8 =	vcmask $0x1B18  }
0x4: {  	vm7 =	vcmask $0x1F1C;
	vm6 =	vcmask $0x2320;
	vm5 =	vcmask $0x2724  }
0x5: {  	vm4 =	vcmask $0x2B28;
	vm3 =	vcmask $0x2F2C;
	vm2 =	vcmask $0x3330  }
0x6: {  	vm1 =	vcmask $0x3734;
	v1 =	vimm.s32 $0x1B80;
	vm0 =	vcmask $0x3B38  }
0x7: {  	v3 =	vimm.s32 $0x2B80;
	v4 =	vimm.s32 $0x3B80;
	v0 =	vsel vm14, $0x0, v0  }
0x8: {  	v2 =	vsel vm14, $0x1000, v1;
	v1 =	vlaneseq.u32;
	v3 =	vsel vm14, $0x2000, v3  }
0x9: {  	v4 =	vsel vm14, $0x3000, v4;
	v0 =	vsel vm13, $0x80, v0;
	v2 =	vsel vm13, $0x1080, v2  }
0xa: {  	v3 =	vsel vm13, $0x2080, v3;
	v4 =	vsel vm13, $0x3080, v4;
	v8 =	vmul.u32 $0xFFFFFFFF, v1  }
0xb: {  	v7 =	vor.u32 $0x30, v1;
	v0 =	vsel vm12, $0x100, v0;
	v2 =	vsel vm12, $0x1100, v2  }
0xc: {  	v3 =	vsel vm12, $0x2100, v3;
	v4 =	vsel vm12, $0x3100, v4;
	v0 =	vsel vm11, $0x180, v0  }
0xd: {  	v2 =	vsel vm11, $0x1180, v2;
	v3 =	vsel vm11, $0x2180, v3;
	v4 =	vsel vm11, $0x3180, v4  }
0xe: {  	v8 =	vadd.s32 $0xF, v8;
	v0 =	vsel vm10, $0x200, v0;
	v2 =	vsel vm10, $0x1200, v2  }
0xf: {  	v3 =	vsel vm10, $0x2200, v3;
	v4 =	vsel vm10, $0x3200, v4;
	v0 =	vsel vm9, $0x280, v0  }
0x10: {  	v2 =	vsel vm9, $0x1280, v2;
	v3 =	vsel vm9, $0x2280, v3;
	v4 =	vsel vm9, $0x3280, v4  }
0x11: {  	s3 =	rddreg [dreg:$0x0];
	v0 =	vsel vm8, $0x300, v0;
	v2 =	vsel vm8, $0x1300, v2;
	v3 =	vsel vm8, $0x2300, v3  }
0x12: {  	s0 =	stileid.u32;
	s4 =	rddreg [dreg:$0x1];
	v4 =	vsel vm8, $0x3300, v4;
	v0 =	vsel vm7, $0x380, v0;
	v2 =	vsel vm7, $0x1380, v2  }
0x13: {  	s2 =	srdreg.scid;
	s1 =	rddreg [dreg:$0x2];
	v3 =	vsel vm7, $0x2380, v3;
	v4 =	vsel vm7, $0x3380, v4;
	v0 =	vsel vm6, $0x800, v0  }
0x14: {  	s10 =	simm.s32 $0x4000;
	s11 =	simm.s32 $0x4800;
	s12 =	simm.s32 $0x0;
	v2 =	vsel vm6, $0x1800, v2;
	v3 =	vsel vm6, $0x2800, v3;
	v4 =	vsel vm6, $0x3800, v4  }
0x15: {  	s5 =	sshll.u32 s0, $0x1;
	s6 =	sand.u32 $0x1, s2;
	s2 =	simm.s32 $0x0;
	v0 =	vsel vm5, $0x880, v0;
	v2 =	vsel vm5, $0x1880, v2;
	v3 =	vsel vm5, $0x2880, v3  }
0x16: {  	s7 =	sshrl.u32 s0, $0x3;
	s5 =	sand.u32 $0xE, s5;
	[smem:$0x7FF] =	sst s2;
	v4 =	vsel vm5, $0x3880, v4;
	v0 =	vsel vm4, $0x900, v0;
	v2 =	vsel vm4, $0x1900, v2  }
0x17: {  	s8 =	sshll.u32 s7, $0x12;
	s7 =	sshll.u32 s7, $0xF;
	s5 =	sor.u32 s6, s5;
	v3 =	vsel vm4, $0x2900, v3;
	v4 =	vsel vm4, $0x3900, v4;
	v0 =	vsel vm3, $0x980, v0  }
0x18: {  	_ =	strace $0x8000004A;
	s6 =	ssub.s32 $0x2, s6;
	s5 =	sshll.u32 s5, $0xB;
	v2 =	vsel vm3, $0x1980, v2;
	v5 =	vsel vm3, $0x2980, v3;
	v4 =	vsel vm3, $0x3980, v4  }
0x19: {  	s31 =	sshrl.u32 s6, $0x1;
	s8 =	sor.u32 s8, s5;
	s5 =	sor.u32 s7, s5;
	v3 =	vor.u32 $0x10, v1;
	v0 =	vsel vm2, $0xA00, v0;
	v2 =	vsel vm2, $0x1A00, v2  }
0x1a: {  	s6 =	ssub.s32 s6, s31;
	s7 =	simm.s32 $0x800;
	s8 =	sshrl.u32 s8, $0x3;
	v5 =	vsel vm2, $0x2A00, v5;
	v4 =	vsel vm2, $0x3A00, v4;
	v0 =	vsel vm1, $0xA80, v0  }
0x1b: {  	s5 =	sshrl.u32 s5, $0x3;
	s6 =	smax.u32 s6, $0x1;
	s30 =	sadd.s32 s8, s3;
	v2 =	vsel vm1, $0x1A80, v2;
	v5 =	vsel vm1, $0x2A80, v5;
	v6 =	vsel vm1, $0x3A80, v4  }
0x1c: {  	s9 =	sadd.s32 s5, s3;
	s4 =	sadd.s32 s4, s5;
	s8 =	simm.s32 $0x8000;
	v0 =	vsel vm0, $0xB00, v0;
	v2 =	vsel vm0, $0x1B00, v2;
	v4 =	vsel vm0, $0x2B00, v5  }
0x1d: {  	s3 =	sadd.s32 $0x15A00, s30;
	s5 =	sadd.s32 $0x25A00, s9;
	s9 =	simm.s32 $0x1;
	v5 =	vor.u32 $0x20, v1;
	v6 =	vsel vm0, $0x3B00, v6;
	vm0 =	vmmov $0xff  }
.LBB2_1:
0x1e: {  	v9 =	vmov s2  }
0x1f: {  	v10 =	vshll.u32 v9, $0x3  }
0x20: {  	v9 =	vand.u32 $0x7C, v9;
	v10 =	vand.u32 $0x400, v10  }
0x21: {  	v9 =	vor.u32 v9, v10  }
0x22: {  	v10 =	vor.u32 v6, v9  }
0x23: {  	[tilespmem:s2], [sflag:$0x1] =	stream.strided.gather [hbm4b:s3+s7], $0x4000, s8, s7, $0x38;
	[tilespmem:$0x5000] =	vst v63  }
0x24: {  	_ =	swait.ge [sflag:s9], $0x4000;
	v11 =	vor.u32 v4, v9  }
0x25: {  	[sflag:s9] =	ssyncset.done $0x0  }
0x26: {  	[sflag:s9] =	ssyncadd.s32 $0xFFFFC000  }
0x27: {  	s13 =	simm.s32 $0x3;
	v12 =	vld.idx.msk [tilespmem:v10+s2+$0x0], $0xffff  }
0x28: {  	v13 =	vmov s13  }
0x29: {  	v14 =	vshll.u32 v13, $0x3;
	v15 =	vld.idx.msk [tilespmem:v11+s2+$0x0], $0xffff;
	v10 =	vor.u32 v0, v9  }
0x2a: {  	v11 =	vand.u32 $0x7F, v13;
	v13 =	vand.u32 $0x400, v14;
	v9 =	vor.u32 v2, v9  }
0x2b: {  	v13 =	vor.u32 v11, v13  }
0x2c: {  	s21 =	simm.s32 $0x2;
	v14 =	vor.u32 v2, v13;
	(xrf1) =	vsort.dscd.msk.f32 $0xffff, v12, v7  }
0x2d: {  	v12 =	vmov s21  }
0x2e: {  	v11 =	vor.u32 v0, v13;
	v17 =	vshll.u32 v12, $0x3;
	(xrf1) =	vsort.dscd.msk.f32 $0xffff, v15, v5;
	v15 =	vld.idx.msk [tilespmem:v10+s2+$0x0], $0xffff  }
0x2f: {  	v16 =	vor.u32 v6, v13;
	v9 =	vld.idx.msk [tilespmem:v9+s2+$0x0], $0xffff;
	v12 =	vand.u32 $0x7E, v12;
	v17 =	vand.u32 $0x400, v17  }
0x30: {  	v13 =	vor.u32 v4, v13;
	v17 =	vor.u32 v12, v17  }
0x31: {  	v14 =	vld.idx.msk [tilespmem:v14+s2+$0x0], $0xffff;
	v18 =	vor.u32 v2, v17  }
0x32: {  	s22 =	simm.s32 $0x1;
	v19 =	vor.u32 v6, v17  }
0x33: {  	v21 =	vmov s22;
	v20 =	vld.idx.msk [tilespmem:v11+s2+$0x0], $0xffff;
	(xrf1) =	vsort.dscd.msk.f32 $0xffff, v15, v1  }
0x34: {  	v16 =	vld.idx.msk [tilespmem:v16+s2+$0x0], $0xffff;
	v12 =	vor.u32 v0, v17;
	v15 =	vshll.u32 v21, $0x3;
	(xrf1) =	vsort.dscd.msk.f32 $0xffff, v9, v3  }
0x35: {  	v17 =	vor.u32 v4, v17;
	v9 =	vld.idx.msk [tilespmem:v13+s2+$0x0], $0xffff;
	v13 =	vand.u32 $0x7D, v21;
	v15 =	vand.u32 $0x400, v15  }
0x36: {  	v13 =	vor.u32 v13, v15;
	(xrf1) =	vsort.dscd.msk.f32 $0xffff, v14, v3;
	v15 =	vld.idx.msk [tilespmem:v18+s2+$0x0], $0xffff  }
0x37: {  	v14 =	vor.u32 v6, v13;
	v18 =	vld.idx.msk [tilespmem:v19+s2+$0x0], $0xffff  }
0x38: {  	(xrf1) =	vsort.dscd.msk.f32 $0xffff, v20, v1;
	v19 =	vor.u32 v2, v13  }
0x39: {  	v20 =	vld.idx.msk [tilespmem:v12+s2+$0x0], $0xffff;
	(xrf1) =	vsort.dscd.msk.f32 $0xffff, v16, v7;
	v16 =	vor.u32 v4, v13  }
0x3a: {  	v17 =	vld.idx.msk [tilespmem:v17+s2+$0x0], $0xffff;
	(xrf1) =	vsort.dscd.msk.f32 $0xffff, v9, v5;
	v9 =	vor.u32 v0, v13;
	v21, v22, _ =	vpop (xrf1)  }
0x3b: {  	(xrf1) =	vsort.dscd.msk.f32 $0xffff, v15, v3;
	v13 =	vperm.xlane v21, v8  }
0x3c: {  	v14 =	vld.idx.msk [tilespmem:v14+s2+$0x0], $0xffff;
	(xrf1) =	vsort.dscd.msk.f32 $0xffff, v18, v7;
	v18, v21, _ =	vpop (xrf1)  }
0x3d: {  	v19 =	vld.idx.msk [tilespmem:v19+s2+$0x0], $0xffff;
	v15 =	vperm.xlane v22, v8;
	vm1 =	vge.f32 v18, v13  }
0x3e: {  	v16 =	vld.idx.msk [tilespmem:v16+s2+$0x0], $0xffff;
	(xrf1) =	vsort.dscd.msk.f32 $0xffff, v20, v1;
	v13 =	vsel vm1, v18, v13  }
0x3f: {  	(xrf1) =	vsort.dscd.msk.f32 $0xffff, v17, v5;
	v17 =	vld.idx.msk [tilespmem:v9+s2+$0x0], $0xffff;
	v15 =	vsel vm1, v21, v15  }
0x40: {  	(xrf1) =	vsort.dscd.msk.f32 $0xffff, v13, v15  }
0x41: {  	(xrf1) =	vsort.dscd.msk.f32 $0xffff, v14, v7;
	v13, v14, _ =	vpop (xrf1)  }
0x42: {  	(xrf1) =	vsort.dscd.msk.f32 $0xffff, v19, v3;
	v15, v18, _ =	vpop (xrf1)  }
0x43: {  	(xrf1) =	vsort.dscd.msk.f32 $0xffff, v16, v5;
	v15 =	vperm.xlane v15, v8  }
0x44: {  	v16, v19, _ =	vpop (xrf1);
	(xrf1) =	vsort.dscd.msk.f32 $0xffff, v17, v1;
	v17 =	vperm.xlane v18, v8  }
0x45: {  	vm1 =	vge.f32 v13, v15  }
0x46: {  	v20, v21, _ =	vpop (xrf1);
	v14 =	vsel vm1, v14, v17  }
0x47: {  	v18, v22, _ =	vpop (xrf1);
	v13 =	vsel vm1, v13, v15;
	v15 =	vperm.xlane v16, v8  }
0x48: {  	v16 =	vperm.xlane v18, v8;
	v22 =	vperm.xlane v22, v8  }
0x49: {  	v18 =	vperm.xlane v19, v8;
	v17, v19, _ =	vpop (xrf1)  }
0x4a: {  	(xrf1) =	vsort.dscd.msk.f32 $0xffff, v13, v14;
	vm1 =	vge.f32 v20, v15;
	vm2 =	vge.f32 v17, v16;
	v13, v14, _ =	vpop (xrf1)  }
0x4b: {  	s23 =	simm.s32 $0x4;
	v15 =	vsel vm1, v20, v15;
	v18 =	vsel vm1, v21, v18;
	v16 =	vsel vm2, v17, v16;
	v20, v21, _ =	vpop (xrf1)  }
0x4c: {  	v17 =	vmov s23;
	v19 =	vsel vm2, v19, v22;
	v20 =	vperm.xlane v20, v8;
	v22, v23, _ =	vpop (xrf1)  }
0x4d: {  	(xrf1) =	vsort.dscd.msk.f32 $0xffff, v15, v18;
	v15 =	vand.u32 $0x7C, v17;
	v17 =	vshll.u32 v17, $0x3;
	v18 =	vperm.xlane v21, v8;
	v21, v24, _ =	vpop (xrf1)  }
0x4e: {  	v13 =	vperm.xlane v13, v8;
	(xrf1) =	vsort.dscd.msk.f32 $0xffff, v16, v19;
	v16 =	vand.u32 $0x400, v17;
	vm1 =	vge.f32 v21, v20  }
0x4f: {  	v14 =	vperm.xlane v14, v8;
	v20 =	vsel vm1, v21, v20  }
0x50: {  	v17, v19, _ =	vpop (xrf1);
	v18 =	vsel vm1, v24, v18;
	vm1 =	vge.f32 v22, v13  }
0x51: {  	v15 =	vor.u32 v15, v16;
	v16, v21, _ =	vpop (xrf1);
	v14 =	vsel vm1, v23, v14  }
0x52: {  	v16 =	vperm.xlane v16, v8  }
0x53: {  	(xrf1) =	vsort.dscd.msk.f32 $0xffff, v20, v18;
	v13 =	vsel vm1, v22, v13;
	v18, v20, _ =	vpop (xrf1)  }
0x54: {  	(xrf1) =	vsort.dscd.msk.f32 $0xffff, v13, v14;
	v13 =	vperm.xlane v21, v8;
	v14, v21, _ =	vpop (xrf1);
	v18 =	vperm.xlane v18, v8  }
0x55: {  	v22 =	vor.u32 v6, v15;
	vm1 =	vge.f32 v14, v16  }
0x56: {  	v20 =	vperm.xlane v20, v8;
	v14 =	vsel vm1, v14, v16;
	v13 =	vsel vm1, v21, v13;
	v16, v21, _ =	vpop (xrf1)  }
0x57: {  	v23 =	vor.u32 v4, v15;
	vm1 =	vge.f32 v16, v18;
	(xrf1) =	vsort.dscd.msk.f32 $0xffff, v14, v13  }
0x58: {  	v13 =	vsel vm1, v16, v18;
	v14 =	vsel vm1, v21, v20;
	v16 =	vperm.xlane v17, v8  }
0x59: {  	(xrf1) =	vsort.dscd.msk.f32 $0xffff, v13, v14;
	v13 =	vperm.xlane v19, v8;
	v17, v18, _ =	vpop (xrf1)  }
0x5a: {  	vm1 =	vge.f32 v17, v16  }
0x5b: {  	v14 =	vld.idx.msk [tilespmem:v22+s2+$0x0], $0xffff;
	v16 =	vsel vm1, v17, v16;
	v17 =	vsel vm1, v18, v13  }
0x5c: {  	s24 =	simm.s32 $0x7  }
0x5d: {  	v21 =	vmov s24;
	v19 =	vld.idx.msk [tilespmem:v23+s2+$0x0], $0xffff  }
0x5e: {  	v22 =	vshll.u32 v21, $0x3;
	v18, v20, _ =	vpop (xrf1)  }
0x5f: {  	v13 =	vor.u32 v0, v15;
	(xrf1) =	vsort.dscd.msk.f32 $0xffff, v16, v17;
	v16, v17, _ =	vpop (xrf1)  }
0x60: {  	(xrf1) =	vsort.dscd.msk.f32 $0xffff, v14, v7;
	v14 =	vperm.xlane v17, v8;
	v17 =	vand.u32 $0x7F, v21;
	v21 =	vand.u32 $0x400, v22  }
0x61: {  	v16 =	vperm.xlane v16, v8  }
0x62: {  	(xrf1) =	vsort.dscd.msk.f32 $0xffff, v19, v5;
	v19, v22, _ =	vpop (xrf1)  }
0x63: {  	v15 =	vor.u32 v2, v15;
	v19 =	vperm.xlane v19, v8;
	vm1 =	vge.f32 v18, v16  }
0x64: {  	s25 =	simm.s32 $0x6;
	v17 =	vor.u32 v17, v21;
	v22 =	vperm.xlane v22, v8;
	v14 =	vsel vm1, v20, v14;
	v20, v21, _ =	vpop (xrf1)  }
0x65: {  	v23 =	vmov s25;
	v16 =	vsel vm1, v18, v16;
	v18 =	vld.idx.msk [tilespmem:v13+s2+$0x0], $0xffff;
	vm1 =	vge.f32 v20, v19  }
0x66: {  	(xrf1) =	vsort.dscd.msk.f32 $0xffff, v16, v14;
	v19 =	vsel vm1, v20, v19;
	v20 =	vsel vm1, v21, v22;
	v22 =	vshll.u32 v23, $0x3  }
0x67: {  	(xrf1) =	vsort.dscd.msk.f32 $0xffff, v19, v20;
	v20 =	vand.u32 $0x400, v22  }
0x68: {  	v14 =	vor.u32 v0, v17;
	v16 =	vor.u32 v2, v17;
	v24, v25, _ =	vpop (xrf1);
	v21 =	vor.u32 v4, v17  }
0x69: {  	v15 =	vld.idx.msk [tilespmem:v15+s2+$0x0], $0xffff;
	v17 =	vor.u32 v6, v17;
	v19 =	vand.u32 $0x7E, v23;
	v22 =	vperm.xlane v24, v8  }
0x6a: {  	v19 =	vor.u32 v19, v20;
	(xrf1) =	vsort.dscd.msk.f32 $0xffff, v18, v1;
	v18 =	vperm.xlane v25, v8;
	v20, v23, _ =	vpop (xrf1)  }
0x6b: {  	vm1 =	vge.f32 v20, v22  }
0x6c: {  	v18 =	vsel vm1, v23, v18  }
0x6d: {  	v24 =	vor.u32 v2, v19;
	v16 =	vld.idx.msk [tilespmem:v16+s2+$0x0], $0xffff  }
0x6e: {  	s26 =	simm.s32 $0x5;
	(xrf1) =	vsort.dscd.msk.f32 $0xffff, v15, v3;
	v26 =	vld.idx.msk [tilespmem:v14+s2+$0x0], $0xffff;
	v15 =	vsel vm1, v20, v22  }
0x6f: {  	v25 =	vor.u32 v6, v19;
	v17 =	vld.idx.msk [tilespmem:v17+s2+$0x0], $0xffff;
	v22 =	vmov s26;
	(xrf1) =	vsort.dscd.msk.f32 $0xffff, v15, v18;
	v18, v20, _ =	vpop (xrf1)  }
0x70: {  	v21 =	vld.idx.msk [tilespmem:v21+s2+$0x0], $0xffff;
	v23 =	vshll.u32 v22, $0x3;
	v15 =	vor.u32 v0, v19;
	(xrf0) =	vmax.scan.msk.f32 $0xffff, v18  }
0x71: {  	v22 =	vand.u32 $0x7D, v22;
	v19 =	vor.u32 v4, v19;
	v23 =	vand.u32 $0x400, v23  }
0x72: {  	v22 =	vor.u32 v22, v23;
	v23 =	vld.idx.msk [tilespmem:v24+s2+$0x0], $0xffff;
	(xrf1) =	vsort.dscd.msk.f32 $0xffff, v16, v3  }
0x73: {  	v16, v24, _ =	vpop (xrf1);
	(xrf1) =	vsort.dscd.msk.f32 $0xffff, v26, v1  }
0x74: {  	v25 =	vld.idx.msk [tilespmem:v25+s2+$0x0], $0xffff;
	v27 =	vor.u32 v6, v22;
	v26, v28, _ =	vpop (xrf1);
	(xrf1) =	vsort.dscd.msk.f32 $0xffff, v17, v7  }
0x75: {  	v29 =	vor.u32 v2, v22;
	v30 =	vld.idx.msk [tilespmem:v15+s2+$0x0], $0xffff;
	(xrf1) =	vsort.dscd.msk.f32 $0xffff, v21, v5;
	v21, v17, _ =	vpop (xrf1)  }
0x76: {  	v32 =	vld.idx.msk [tilespmem:v19+s2+$0x0], $0xffff;
	(xrf0) =	vmax.scan.msk.f32 $0xffff, v21;
	v19, _, _ =	vpop (xrf0)  }
0x77: {  	v31 =	vor.u32 v4, v22;
	(xrf1) =	vsort.dscd.msk.f32 $0xffff, v23, v3;
	v23 =	vbroadcast v19, $0xF  }
0x78: {  	v33 =	vperm.xlane v16, v8  }
0x79: {  	v16 =	vor.u32 v0, v22;
	v22 =	vld.idx.msk [tilespmem:v27+s2+$0x0], $0xffff;
	(xrf1) =	vsort.dscd.msk.f32 $0xffff, v25, v7;
	v18 =	vsub.f32 v18, v23  }
0x7a: {  	v24 =	vperm.xlane v24, v8;
	v27 =	vld.idx.msk [tilespmem:v29+s2+$0x0], $0xffff;
	(xrf1) =	vsort.dscd.msk.f32 $0xffff, v30, v1  }
0x7b: {  	vm1 =	vge.f32 v26, v33;
	v25, v19, _ =	vpop (xrf1);
	(xrf1) =	vsort.dscd.msk.f32 $0xffff, v32, v5  }
0x7c: {  	v24 =	vsel vm1, v28, v24;
	(xrf0) =	vmax.scan.msk.f32 $0xffff, v25;
	v29, v34, _ =	vpop (xrf1);
	v23 =	vsel vm1, v26, v33;
	v26 =	vld.idx.msk [tilespmem:v31+s2+$0x0], $0xffff  }
0x7d: {  	(xrf1) =	vsort.dscd.msk.f32 $0xffff, v23, v24;
	v23 =	vmul.f32 $1.442695020e+00, v18;
	v18, _, _ =	vpop (xrf0)  }
0x7e: {  	v28, v30, _ =	vpop (xrf1);
	(xrf1) =	vsort.dscd.msk.f32 $0xffff, v22, v7;
	v22 =	vbroadcast v18, $0xF  }
0x7f: {  	v24 =	vld.idx.msk [tilespmem:v16+s2+$0x0], $0xffff;
	(xrf1) =	vsort.dscd.msk.f32 $0xffff, v27, v3;
	v31, v18, _ =	vpop (xrf1)  }
0x80: {  	v28 =	vperm.xlane v28, v8;
	(xrf0) =	vmax.scan.msk.f32 $0xffff, v31  }
0x81: {  	(erf) = vpow2.f32 v23;
	v23 =	vperm.xlane v30, v8;
	(xrf1) =	vsort.dscd.msk.f32 $0xffff, v26, v5;
	v26, v27, _ =	vpop (xrf1)  }
0x82: {  	vm1 =	vge.f32 v29, v28;
	v21 =	vsub.f32 v21, v22;
	v22, _, _ =	vpop (xrf0)  }
0x83: {  	v28 =	vsel vm1, v29, v28;
	v23 =	vsel vm1, v34, v23;
	v29, v30, _ =	vpop (xrf1);
	v22 =	vbroadcast v22, $0xF  }
0x84: {  	(xrf1) =	vsort.dscd.msk.f32 $0xffff, v24, v1;
	v24, v46, _ =	vpop (xrf1)  }
0x85: {  	v22 =	vsub.f32 v25, v22;
	v25, v47, _ =	vpop (xrf1)  }
0x86: {  	s28 =	simm.s32 $0x8;
	v27 =	vperm.xlane v27, v8;
	v26 =	vperm.xlane v26, v8;
	(xrf1) =	vsort.dscd.msk.f32 $0xffff, v28, v23;
	v23, _, _ =	vpop (xrf0)  }
0x87: {  	v45 =	vmov s28;
	v21 =	vmul.f32 $1.442695020e+00, v21;
	v23 =	vbroadcast v23, $0xF  }
0x88: {  	v24 =	vperm.xlane v24, v8;
	v33 =	vperm.xlane v46, v8;
	vm1 =	vge.f32 v29, v26  }
0x89: {  	(erf) = vpow2.f32 v21;
	v28, v35, _ =	vpop (xrf1);
	v23 =	vsub.f32 v31, v23;
	v31 =	vshll.u32 v45, $0x3  }
0x8a: {  	v26 =	vsel vm1, v29, v26;
	v27 =	vsel vm1, v30, v27;
	v22 =	vmul.f32 $1.442695020e+00, v22;
	v29, v30, _ =	vpop (xrf1)  }
0x8b: {  	v28 =	vperm.xlane v28, v8;
	v29 =	vperm.xlane v29, v8  }
0x8c: {  	vm2 =	vge.f32 v25, v24;
	(xrf1) =	vsort.dscd.msk.f32 $0xffff, v26, v27;
	v49, v48, _ =	vpop (xrf1);
	v27 =	vperm.xlane v30, v8;
	(erf) = vpow2.f32 v22  }
0x8d: {  	v22 =	vsel vm2, v25, v24;
	v24 =	vsel vm2, v47, v33;
	v26 =	vand.u32 $0x400, v31;
	v30, v31, _ =	vpop (xrf1)  }
0x8e: {  	(xrf1) =	vsort.dscd.msk.f32 $0xffff, v22, v24;
	v22 =	vmul.f32 $1.442695020e+00, v23;
	vm1 =	vge.f32 v30, v29  }
0x8f: {  	v29 =	vsel vm1, v30, v29;
	v27 =	vsel vm1, v31, v27;
	vm1 =	vge.f32 v49, v28  }
0x90: {  	v25 =	vpop (erf);
	(xrf1) =	vsort.dscd.msk.f32 $0xffff, v29, v27;
	v27 =	vsel vm1, v49, v28  }
0x91: {  	v21 =	vand.u32 $0x7C, v45;
	v24 =	vperm.xlane v35, v8;
	v23 =	vnsel vm0, $0x0, v25;
	v25, v50, _ =	vpop (xrf1)  }
0x92: {  	v21 =	vor.u32 v21, v26;
	(erf) = vpow2.f32 v22;
	v22, v26, _ =	vpop (xrf1)  }
0x93: {  	(xrf2) =	vadd.scan.msk.f32 $0xffff, v23;
	v24 =	vsel vm1, v48, v24;
	v22 =	vperm.xlane v22, v8;
	v28, v29, _ =	vpop (xrf1)  }
0x94: {  	(xrf1) =	vsort.dscd.msk.f32 $0xffff, v27, v24;
	v24 =	vperm.xlane v26, v8;
	v26, v27, _ =	vpop (xrf1);
	v29 =	vperm.xlane v29, v8  }
0x95: {  	v51 =	vor.u32 v4, v21;
	v31 =	vpop (erf);
	v28 =	vperm.xlane v28, v8;
	vm1 =	vge.f32 v26, v22  }
0x96: {  	v30 =	vor.u32 v6, v21;
	v22 =	vsel vm1, v26, v22;
	v26 =	vsel vm1, v27, v24;
	v27, v52, _ =	vpop (xrf1)  }
0x97: {  	v25 =	vperm.xlane v25, v8;
	v24 =	vnsel vm0, $0x0, v31;
	v31 =	vpop (erf);
	vm1 =	vge.f32 v27, v28  }
0x98: {  	(xrf1) =	vsort.dscd.msk.f32 $0xffff, v22, v26;
	v27 =	vsel vm1, v27, v28;
	v28 =	vsel vm1, v52, v29;
	v29, v33, _ =	vpop (xrf1)  }
0x99: {  	s29 =	simm.s32 $0xB;
	(xrf2) =	vadd.scan.msk.f32 $0xffff, v24;
	v26 =	vnsel vm0, $0x0, v31;
	vm1 =	vge.f32 v29, v25  }
0x9a: {  	v22 =	vperm.xlane v50, v8;
	(xrf2) =	vadd.scan.msk.f32 $0xffff, v26;
	v25 =	vsel vm1, v29, v25;
	v29 =	vmov s29  }
0x9b: {  	(xrf1) =	vsort.dscd.msk.f32 $0xffff, v27, v28;
	v28 =	vld.idx.msk [tilespmem:v30+s2+$0x0], $0xffff;
	v31, v53, _ =	vpop (xrf1);
	v30 =	vshll.u32 v29, $0x3  }
0x9c: {  	v32 =	vld.idx.msk [tilespmem:v51+s2+$0x0], $0xffff;
	v22 =	vsel vm1, v33, v22;
	v27 =	vpop (erf)  }
0x9d: {  	v54 =	vor.u32 v2, v21;
	(xrf1) =	vsort.dscd.msk.f32 $0xffff, v25, v22;
	v27 =	vnsel vm0, $0x0, v27;
	v25, _, _ =	vpop (xrf2)  }
0x9e: {  	v22 =	vor.u32 v0, v21;
	v21 =	vand.u32 $0x7F, v29;
	v29 =	vand.u32 $0x400, v30;
	(xrf2) =	vadd.scan.msk.f32 $0xffff, v27;
	v30, v55, _ =	vpop (xrf1)  }
0x9f: {  	v29 =	vor.u32 v21, v29;
	v30 =	vperm.xlane v30, v8  }
0xa0: {  	s30 =	simm.s32 $0xA;
	v25 =	vbroadcast v25, $0xF;
	v21 =	vor.u32 v0, v29;
	(xrf1) =	vsort.dscd.msk.f32 $0xffff, v28, v7  }
0xa1: {  	v58 =	vmov s30;
	v35 =	vperm.xlane v55, v8;
	(xrf1) =	vsort.dscd.msk.f32 $0xffff, v32, v5;
	vm1 =	vge.f32 v31, v30  }
0xa2: {  	v40 =	vor.u32 v4, v29;
	v28, v36, _ =	vpop (xrf1);
	(erf) = vrcp.f32 v25;
	v30 =	vsel vm1, v31, v30  }
0xa3: {  	v39 =	vor.u32 v6, v29;
	v37 =	vld.idx.msk [tilespmem:v22+s2+$0x0], $0xffff;
	v28 =	vperm.xlane v28, v8;
	v56, v57, _ =	vpop (xrf1);
	v31 =	vsel vm1, v53, v35  }
0xa4: {  	v25 =	vor.u32 v2, v29;
	v36 =	vperm.xlane v36, v8;
	v29 =	vshll.u32 v58, $0x3;
	v38, _, _ =	vpop (xrf2);
	(xrf1) =	vsort.dscd.msk.f32 $0xffff, v30, v31  }
0xa5: {  	v34 =	vld.idx.msk [tilespmem:v54+s2+$0x0], $0xffff;
	v29 =	vand.u32 $0x400, v29;
	vm1 =	vge.f32 v56, v28;
	v31 =	vbroadcast v38, $0xF;
	v30, _, _ =	vpop (xrf2)  }
0xa6: {  	v28 =	vsel vm1, v56, v28;
	v59 =	vsel vm1, v57, v36;
	v62, v61, _ =	vpop (xrf1);
	v30 =	vbroadcast v30, $0xF  }
0xa7: {  	v60 =	vand.u32 $0x7E, v58;
	(xrf1) =	vsort.dscd.msk.f32 $0xffff, v28, v59;
	(erf) = vrcp.f32 v31;
	v28 =	vperm.xlane v62, v8  }
0xa8: {  	v31 =	vor.u32 v60, v29;
	(xrf1) =	vsort.dscd.msk.f32 $0xffff, v37, v1;
	v29, _, _ =	vpop (xrf2);
	(erf) = vrcp.f32 v30  }
0xa9: {  	s31 =	simm.s32 $0x9;
	v35 =	vor.u32 v2, v31;
	v63, v41, _ =	vpop (xrf1);
	v30 =	vld.idx.msk [tilespmem:v25+s2+$0x0], $0xffff;
	v25 =	vperm.xlane v61, v8;
	v42 =	vbroadcast v29, $0xF  }
0xaa: {  	v32 =	vld.idx.msk [tilespmem:v21+s2+$0x0], $0xffff;
	v38 =	vmov s31;
	v36 =	vor.u32 v6, v31;
	(xrf1) =	vsort.dscd.msk.f32 $0xffff, v34, v3;
	vm1 =	vge.f32 v63, v28  }
0xab: {  	v33 =	vld.idx.msk [tilespmem:v39+s2+$0x0], $0xffff;
	v29 =	vpop (erf);
	v43 =	vsel vm1, v63, v28;
	v41 =	vsel vm1, v41, v25;
	(erf) = vrcp.f32 v42  }
0xac: {  	s13 =	simm.s32 $0xC;
	v39 =	vshll.u32 v38, $0x3;
	v37 =	vld.idx.msk [tilespmem:v40+s2+$0x0], $0xffff;
	v25 =	vor.u32 v0, v31;
	v34, v28, _ =	vpop (xrf1);
	(xrf1) =	vsort.dscd.msk.f32 $0xffff, v43, v41  }
.LBB2_2:
0xad: {  	p0 =	slt.u32 s13, $0xFC;
	v38 =	vand.u32 $0x7D, v38;
	v44 =	vand.u32 $0x400, v39;
	v31 =	vor.u32 v4, v31;
	(xrf0) =	vmax.scan.msk.f32 $0xffff, v34  }
0xae: {  	v38 =	vor.u32 v38, v44;
	v35 =	vld.idx.msk [tilespmem:v35+s2+$0x0], $0xffff;
	v39, v40, _ =	vpop (xrf1);
	v44 =	vmul.f32 v29, v23  }
0xaf: {  	v29 =	vperm.xlane v40, v8;
	v40 =	vor.u32 v6, v38;
	v36 =	vld.idx.msk [tilespmem:v36+s2+$0x0], $0xffff;
	v41, v42, _ =	vpop (xrf1);
	(xrf1) =	vsort.dscd.msk.f32 $0xffff, v30, v3  }
0xb0: {  	v30 =	vperm.xlane v39, v8;
	(xrf1) =	vsort.dscd.msk.f32 $0xffff, v32, v1;
	[tilespmem:v10+s10+$0x0] =	vst.idx.msk $0xff, v44;
	v23 =	vpop (erf)  }
0xb1: {  	v32 =	vor.u32 v2, v38;
	v39 =	vld.idx.msk [tilespmem:v25+s2+$0x0], $0xffff;
	(xrf1) =	vsort.dscd.msk.f32 $0xffff, v33, v7;
	v23 =	vmul.f32 v23, v24;
	v24 =	vpop (erf)  }
0xb2: {  	v33 =	vor.u32 v4, v38;
	v31 =	vld.idx.msk [tilespmem:v31+s2+$0x0], $0xffff;
	(xrf1) =	vsort.dscd.msk.f32 $0xffff, v37, v5;
	v37, v43, _ =	vpop (xrf1);
	[tilespmem:v10+s11+$0x0] =	vst.idx.msk $0xff, v20  }
0xb3: {  	vm1 =	vge.f32 v41, v30;
	v20 =	vmul.f32 v24, v26;
	v10, _, _ =	vpop (xrf0);
	(xrf0) =	vmax.scan.msk.f32 $0xffff, v37;
	[tilespmem:v11+s10+$0x0] =	vst.idx.msk $0xff, v23  }
0xb4: {  	v23 =	vor.u32 v0, v38;
	v24 =	vld.idx.msk [tilespmem:v40+s2+$0x0], $0xffff;
	(xrf1) =	vsort.dscd.msk.f32 $0xffff, v35, v3;
	[tilespmem:v11+s11+$0x0] =	vst.idx.msk $0xff, v17;
	v11 =	vpop (erf)  }
0xb5: {  	v10 =	vbroadcast v10, $0xF;
	(xrf1) =	vsort.dscd.msk.f32 $0xffff, v36, v7;
	v26, v35, _ =	vpop (xrf1);
	v11 =	vmul.f32 v11, v27;
	[tilespmem:v12+s10+$0x0] =	vst.idx.msk $0xff, v20  }
0xb6: {  	v17 =	vmov v43;
	v20 =	vsel vm1, v41, v30;
	v27 =	vld.idx.msk [tilespmem:v32+s2+$0x0], $0xffff;
	v30, v32, _ =	vpop (xrf1);
	(xrf0) =	vmax.scan.msk.f32 $0xffff, v26;
	[tilespmem:v12+s11+$0x0] =	vst.idx.msk $0xff, v19  }
0xb7: {  	v10 =	vsub.f32 v34, v10;
	v12 =	vld.idx.msk [tilespmem:v33+s2+$0x0], $0xffff;
	(xrf1) =	vsort.dscd.msk.f32 $0xffff, v39, v1;
	[tilespmem:v9+s10+$0x0] =	vst.idx.msk $0xff, v11  }
0xb8: {  	v33 =	vsel vm1, v42, v29;
	v19, v29, _ =	vpop (xrf1);
	(xrf1) =	vsort.dscd.msk.f32 $0xffff, v31, v5;
	[tilespmem:v9+s11+$0x0] =	vst.idx.msk $0xff, v18;
	v9 =	vmov v16  }
0xb9: {  	v34 =	vmov s13;
	v38 =	vmul.f32 $1.442695020e+00, v10;
	v16 =	vmov v23;
	v31 =	vld.idx.msk [tilespmem:v23+s2+$0x0], $0xffff;
	(xrf1) =	vsort.dscd.msk.f32 $0xffff, v20, v33;
	v11, _, _ =	vpop (xrf0)  }
0xba: {  	v36 =	vand.u32 $0x7C, v34;
	v23 =	vshll.u32 v34, $0x3;
	(xrf1) =	vsort.dscd.msk.f32 $0xffff, v24, v7;
	v11 =	vbroadcast v11, $0xF;
	v24, v18, _ =	vpop (xrf1)  }
0xbb: {  	v39 =	vperm.xlane v19, v8;
	v19 =	vmovc v35;
	v23 =	vand.u32 $0x400, v23;
	(erf) = vpow2.f32 v38;
	(xrf0) =	vmax.scan.msk.f32 $0xffff, v24  }
0xbc: {  	v10 =	vmov v13;
	v34 =	vor.u32 v36, v23;
	(xrf1) =	vsort.dscd.msk.f32 $0xffff, v27, v3;
	v11 =	vsub.f32 v37, v11;
	v20, _, _ =	vpop (xrf0)  }
0xbd: {  	v23 =	vperm.xlane v29, v8;
	vm1 =	vge.f32 v30, v39;
	(xrf1) =	vsort.dscd.msk.f32 $0xffff, v12, v5;
	v12, v13, _ =	vpop (xrf1);
	v20 =	vbroadcast v20, $0xF  }
0xbe: {  	v27 =	vsel vm1, v30, v39;
	v29 =	vperm.xlane v13, v8;
	v30, v33, _ =	vpop (xrf1);
	v11 =	vmul.f32 $1.442695020e+00, v11  }
0xbf: {  	v12 =	vperm.xlane v12, v8;
	v13 =	vmov v22;
	(xrf1) =	vsort.dscd.msk.f32 $0xffff, v31, v1;
	v36, v35, _ =	vpop (xrf1);
	v20 =	vsub.f32 v26, v20  }
0xc0: {  	v37 =	vsel vm1, v32, v23;
	v23 =	vperm.xlane v36, v8;
	v26, v31, _ =	vpop (xrf1);
	(erf) = vpow2.f32 v11  }
0xc1: {  	v32 =	vor.u32 v6, v34;
	v11 =	vperm.xlane v35, v8;
	(xrf1) =	vsort.dscd.msk.f32 $0xffff, v27, v37;
	v20 =	vmul.f32 $1.442695020e+00, v20;
	v22, _, _ =	vpop (xrf0)  }
0xc2: {  	vm1 =	vge.f32 v30, v12;
	vm2 =	vge.f32 v26, v23;
	v27, v35, _ =	vpop (xrf1);
	v22 =	vbroadcast v22, $0xF  }
0xc3: {  	v12 =	vsel vm1, v30, v12;
	v36 =	vsel vm1, v33, v29;
	v30, v33, _ =	vpop (xrf1);
	(erf) = vpow2.f32 v20  }
0xc4: {  	v20 =	vsel vm2, v26, v23;
	v23 =	vsel vm2, v31, v11;
	v22 =	vsub.f32 v24, v22;
	v24 =	vpop (erf)  }
0xc5: {  	v26 =	vperm.xlane v27, v8;
	v37 =	vperm.xlane v30, v8;
	v11 =	vmov v14;
	v30, v31, _ =	vpop (xrf1);
	(xrf1) =	vsort.dscd.msk.f32 $0xffff, v12, v36  }
0xc6: {  	v12 =	vperm.xlane v33, v8;
	v14, v29, _ =	vpop (xrf1);
	(xrf1) =	vsort.dscd.msk.f32 $0xffff, v20, v23;
	v23 =	vnsel vm0, $0x0, v24;
	v20 =	vmul.f32 $1.442695020e+00, v22  }
0xc7: {  	v22 =	vperm.xlane v35, v8;
	vm1 =	vge.f32 v30, v26;
	vm2 =	vge.f32 v14, v37;
	v33, v35, _ =	vpop (xrf1)  }
0xc8: {  	v36 =	vsel vm2, v14, v37;
	v38 =	vsel vm2, v29, v12;
	v24, v27, _ =	vpop (xrf1);
	(xrf2) =	vadd.scan.msk.f32 $0xffff, v23;
	(erf) = vpow2.f32 v20  }
0xc9: {  	v37 =	vsel vm1, v30, v26;
	v22 =	vsel vm1, v31, v22;
	v14 =	vmov v21;
	(xrf1) =	vsort.dscd.msk.f32 $0xffff, v36, v38;
	v26 =	vpop (erf)  }
0xca: {  	v21 =	vperm.xlane v24, v8;
	v12 =	vmov v15;
	v29, v30, _ =	vpop (xrf1);
	(xrf1) =	vsort.dscd.msk.f32 $0xffff, v37, v22;
	v20 =	vmov v28  }
0xcb: {  	v27 =	vperm.xlane v27, v8;
	v22 =	vor.u32 v4, v34;
	v24 =	vnsel vm0, $0x0, v26;
	v28, v31, _ =	vpop (xrf1)  }
0xcc: {  	v15 =	vmov v25;
	v37 =	vperm.xlane v29, v8;
	vm1 =	vge.f32 v28, v21;
	v26 =	vpop (erf);
	(xrf2) =	vadd.scan.msk.f32 $0xffff, v24  }
0xcd: {  	v36 =	vperm.xlane v30, v8;
	v25 =	vld.idx.msk [tilespmem:v32+s2+$0x0], $0xffff;
	v21 =	vsel vm1, v28, v21;
	v27 =	vsel vm1, v31, v27;
	v28, v31, _ =	vpop (xrf1)  }
0xce: {  	v32 =	vperm.xlane v33, v8;
	v26 =	vnsel vm0, $0x0, v26;
	vm1 =	vge.f32 v28, v37;
	(xrf1) =	vsort.dscd.msk.f32 $0xffff, v21, v27  }
0xcf: {  	v35 =	vperm.xlane v35, v8;
	v27 =	vsel vm1, v28, v37;
	v33 =	vsel vm1, v31, v36;
	v29, v30, _ =	vpop (xrf1);
	(xrf2) =	vadd.scan.msk.f32 $0xffff, v26  }
0xd0: {  	v31 =	vld.idx.msk [tilespmem:v22+s2+$0x0], $0xffff;
	vm1 =	vge.f32 v29, v32;
	(xrf1) =	vsort.dscd.msk.f32 $0xffff, v27, v33  }
0xd1: {  	s14 =	sadd.s32 $0x3, s13;
	v27 =	vsel vm1, v29, v32;
	v30 =	vsel vm1, v30, v35;
	v28 =	vpop (erf)  }
0xd2: {  	v22 =	vor.u32 v0, v34;
	v29 =	vmov s14;
	(xrf1) =	vsort.dscd.msk.f32 $0xffff, v27, v30;
	v27 =	vnsel vm0, $0x0, v28;
	v21, _, _ =	vpop (xrf2)  }
0xd3: {  	v28 =	vor.u32 v2, v34;
	v30 =	vshll.u32 v29, $0x3;
	v32, v33, _ =	vpop (xrf1);
	(xrf2) =	vadd.scan.msk.f32 $0xffff, v27  }
0xd4: {  	v29 =	vand.u32 $0x7F, v29;
	v30 =	vand.u32 $0x400, v30;
	v36 =	vbroadcast v21, $0xF;
	v34, v35, _ =	vpop (xrf1)  }
0xd5: {  	v29 =	vor.u32 v29, v30;
	(xrf1) =	vsort.dscd.msk.f32 $0xffff, v25, v7;
	v25 =	vperm.xlane v34, v8  }
0xd6: {  	v21 =	vor.u32 v0, v29;
	v30 =	vperm.xlane v35, v8;
	(xrf1) =	vsort.dscd.msk.f32 $0xffff, v31, v5;
	(erf) = vrcp.f32 v36;
	v31, _, _ =	vpop (xrf2)  }
0xd7: {  	v37 =	vor.u32 v4, v29;
	v36 =	vor.u32 v2, v29;
	v34 =	vld.idx.msk [tilespmem:v22+s2+$0x0], $0xffff;
	vm1 =	vge.f32 v32, v25;
	v35, v38, _ =	vpop (xrf1)  }
0xd8: {  	s14 =	sadd.s32 $0x2, s13;
	v35 =	vperm.xlane v35, v8;
	v41 =	vsel vm1, v32, v25;
	v30 =	vsel vm1, v33, v30;
	v32, v33, _ =	vpop (xrf1)  }
0xd9: {  	v39 =	vmov s14;
	v40 =	vor.u32 v6, v29;
	v29 =	vperm.xlane v38, v8;
	v28 =	vld.idx.msk [tilespmem:v28+s2+$0x0], $0xffff;
	(xrf1) =	vsort.dscd.msk.f32 $0xffff, v41, v30;
	v25, _, _ =	vpop (xrf2)  }
0xda: {  	v31 =	vbroadcast v31, $0xF;
	v30 =	vshll.u32 v39, $0x3;
	vm1 =	vge.f32 v32, v35  }
0xdb: {  	v25 =	vbroadcast v25, $0xF;
	v32 =	vsel vm1, v32, v35;
	v42 =	vsel vm1, v33, v29  }
0xdc: {  	v30 =	vand.u32 $0x400, v30;
	v33 =	vand.u32 $0x7E, v39;
	v35, v38, _ =	vpop (xrf1);
	(xrf1) =	vsort.dscd.msk.f32 $0xffff, v32, v42;
	(erf) = vrcp.f32 v31  }
.Ltmp0:
0xdd: {  	v31 =	vor.u32 v33, v30;
	(xrf1) =	vsort.dscd.msk.f32 $0xffff, v34, v1;
	v43 =	vperm.xlane v35, v8;
	v29, _, _ =	vpop (xrf2);
	(erf) = vrcp.f32 v25;
	(pc) =	sbr.rel @p0 .LBB2_2-.Ltmp0, $4  }
0xde: {  	s14 =	sadd.s32 $0x1, s13;
	v35 =	vor.u32 v2, v31;
	v25 =	vperm.xlane v38, v8;
	v30 =	vld.idx.msk [tilespmem:v36+s2+$0x0], $0xffff;
	v39, v41, _ =	vpop (xrf1);
	v42 =	vbroadcast v29, $0xF  }
0xdf: {  	v38 =	vmov s14;
	v36 =	vor.u32 v6, v31;
	v32 =	vld.idx.msk [tilespmem:v21+s2+$0x0], $0xffff;
	(xrf1) =	vsort.dscd.msk.f32 $0xffff, v28, v3;
	vm1 =	vge.f32 v39, v43;
	v29 =	vpop (erf)  }
0xe0: {  	v33 =	vld.idx.msk [tilespmem:v40+s2+$0x0], $0xffff;
	v40 =	vsel vm1, v39, v43;
	v41 =	vsel vm1, v41, v25;
	v34, v28, _ =	vpop (xrf1);
	(erf) = vrcp.f32 v42  }
0xe1: {  	s13 =	sadd.s32 $0x4, s13;
	v39 =	vshll.u32 v38, $0x3;
	v25 =	vor.u32 v0, v31;
	v37 =	vld.idx.msk [tilespmem:v37+s2+$0x0], $0xffff;
	(xrf1) =	vsort.dscd.msk.f32 $0xffff, v40, v41  }
0xe2: {  	_ =	sdelay $0x1  }
0xe3: {  	v38 =	vand.u32 $0x7D, v38;
	v39 =	vand.u32 $0x400, v39;
	v31 =	vor.u32 v4, v31  }
0xe4: {  	v38 =	vor.u32 v38, v39;
	(xrf1) =	vsort.dscd.msk.f32 $0xffff, v30, v3  }
0xe5: {  	v35 =	vld.idx.msk [tilespmem:v35+s2+$0x0], $0xffff;
	v39 =	vor.u32 v6, v38;
	(xrf1) =	vsort.dscd.msk.f32 $0xffff, v32, v1  }
0xe6: {  	v36 =	vld.idx.msk [tilespmem:v36+s2+$0x0], $0xffff;
	v40 =	vor.u32 v2, v38;
	(xrf1) =	vsort.dscd.msk.f32 $0xffff, v33, v7  }
0xe7: {  	v63 =	vld.idx.msk [tilespmem:v25+s2+$0x0], $0xffff;
	v45, v42, _ =	vpop (xrf1);
	v41 =	vor.u32 v4, v38  }
0xe8: {  	v30 =	vor.u32 v0, v38;
	v33 =	vperm.xlane v45, v8;
	(xrf1) =	vsort.dscd.msk.f32 $0xffff, v37, v5;
	v31 =	vld.idx.msk [tilespmem:v31+s2+$0x0], $0xffff  }
0xe9: {  	(xrf0) =	vmax.scan.msk.f32 $0xffff, v34;
	v47 =	vperm.xlane v42, v8;
	v48, v49, _ =	vpop (xrf1)  }
0xea: {  	(xrf1) =	vsort.dscd.msk.f32 $0xffff, v35, v3;
	vm1 =	vge.f32 v48, v33;
	v46 =	vld.idx.msk [tilespmem:v39+s2+$0x0], $0xffff  }
0xeb: {  	(xrf1) =	vsort.dscd.msk.f32 $0xffff, v36, v7;
	v35 =	vsel vm1, v49, v47;
	v50 =	vld.idx.msk [tilespmem:v40+s2+$0x0], $0xffff  }
0xec: {  	v51 =	vld.idx.msk [tilespmem:v41+s2+$0x0], $0xffff;
	(xrf1) =	vsort.dscd.msk.f32 $0xffff, v63, v1  }
0xed: {  	v38, v32, _ =	vpop (xrf1);
	v33 =	vsel vm1, v48, v33;
	v52 =	vld.idx.msk [tilespmem:v30+s2+$0x0], $0xffff;
	(xrf1) =	vsort.dscd.msk.f32 $0xffff, v31, v5  }
0xee: {  	(xrf1) =	vsort.dscd.msk.f32 $0xffff, v33, v35;
	v35, v31, _ =	vpop (xrf1)  }
0xef: {  	(xrf1) =	vsort.dscd.msk.f32 $0xffff, v46, v7;
	v54, v53, _ =	vpop (xrf1)  }
0xf0: {  	(xrf1) =	vsort.dscd.msk.f32 $0xffff, v50, v3;
	v56, v55, _ =	vpop (xrf1)  }
0xf1: {  	(xrf1) =	vsort.dscd.msk.f32 $0xffff, v51, v5;
	v40, v33, _ =	vpop (xrf1)  }
0xf2: {  	v43, v44, _ =	vpop (xrf1);
	(xrf1) =	vsort.dscd.msk.f32 $0xffff, v52, v1  }
0xf3: {  	v36 =	vperm.xlane v56, v8;
	v45, v46, _ =	vpop (xrf1)  }
0xf4: {  	v42 =	vperm.xlane v55, v8;
	v43 =	vperm.xlane v43, v8;
	v47, v48, _ =	vpop (xrf1)  }
0xf5: {  	vm1 =	vge.f32 v54, v36;
	v57 =	vperm.xlane v44, v8;
	v58 =	vperm.xlane v47, v8  }
0xf6: {  	v36 =	vsel vm1, v54, v36;
	v41 =	vsel vm1, v53, v42;
	v59, v49, _ =	vpop (xrf1);
	vm1 =	vge.f32 v45, v43  }
0xf7: {  	v39, _, _ =	vpop (xrf0);
	v60 =	vperm.xlane v48, v8;
	v37 =	vsel vm1, v46, v57;
	vm2 =	vge.f32 v59, v58  }
0xf8: {  	v61, v50, _ =	vpop (xrf1);
	v44 =	vsel vm2, v59, v58  }
0xf9: {  	v39 =	vbroadcast v39, $0xF;
	(xrf1) =	vsort.dscd.msk.f32 $0xffff, v36, v41;
	v63, v51, _ =	vpop (xrf1);
	v42 =	vsel vm2, v49, v60  }
0xfa: {  	(xrf0) =	vmax.scan.msk.f32 $0xffff, v38;
	v62 =	vsel vm1, v45, v43;
	v54 =	vperm.xlane v61, v8;
	v55 =	vperm.xlane v50, v8;
	v52, v53, _ =	vpop (xrf1)  }
0xfb: {  	(xrf1) =	vsort.dscd.msk.f32 $0xffff, v62, v37;
	v41 =	vperm.xlane v63, v8;
	v43 =	vperm.xlane v51, v8;
	v36, v37, _ =	vpop (xrf1)  }
0xfc: {  	v51 =	vsub.f32 v34, v39;
	(xrf1) =	vsort.dscd.msk.f32 $0xffff, v44, v42;
	vm2 =	vge.f32 v52, v54;
	v42, v44, _ =	vpop (xrf1)  }
0xfd: {  	(xrf0) =	vmax.scan.msk.f32 $0xffff, v35;
	v58 =	vsel vm2, v52, v54;
	v46 =	vsel vm2, v53, v55;
	vm1 =	vge.f32 v36, v41;
	v57, v56, _ =	vpop (xrf1)  }
0xfe: {  	(xrf0) =	vmax.scan.msk.f32 $0xffff, v40;
	v36 =	vsel vm1, v36, v41;
	v37 =	vsel vm1, v37, v43;
	v41 =	vperm.xlane v57, v8;
	v45, v47, _ =	vpop (xrf1)  }
0xff: {  	(xrf1) =	vsort.dscd.msk.f32 $0xffff, v36, v37;
	v59 =	vperm.xlane v56, v8;
	v61, v60, _ =	vpop (xrf1);
	v62 =	vperm.xlane v45, v8  }
0x100: {  	(xrf1) =	vsort.dscd.msk.f32 $0xffff, v58, v46;
	v63 =	vperm.xlane v47, v8;
	vm1 =	vge.f32 v61, v41;
	v49, v48, _ =	vpop (xrf1)  }
0x101: {  	v37 =	vsel vm1, v61, v41;
	v36 =	vsel vm1, v60, v59;
	vm1 =	vge.f32 v49, v62  }
0x102: {  	v50, _, _ =	vpop (xrf0);
	v34 =	vmul.f32 $1.442695020e+00, v51;
	(xrf1) =	vsort.dscd.msk.f32 $0xffff, v37, v36;
	v52 =	vsel vm1, v49, v62;
	v53 =	vsel vm1, v48, v63  }
0x103: {  	v36 =	vbroadcast v50, $0xF;
	(xrf1) =	vsort.dscd.msk.f32 $0xffff, v52, v53  }
0x104: {  	(erf) = vpow2.f32 v34  }
0x105: {  	v54, _, _ =	vpop (xrf0);
	v36 =	vsub.f32 v38, v36  }
0x106: {  	v55, _, _ =	vpop (xrf0);
	v37 =	vbroadcast v54, $0xF  }
0x107: {  	v58 =	vperm.xlane v42, v8;
	v45 =	vpop (erf);
	v36 =	vmul.f32 $1.442695020e+00, v36  }
0x108: {  	v61 =	vperm.xlane v44, v8;
	v57, v56, _ =	vpop (xrf1);
	v35 =	vsub.f32 v35, v37  }
0x109: {  	v34 =	vbroadcast v55, $0xF;
	vm1 =	vge.f32 v57, v58;
	v60, v59, _ =	vpop (xrf1);
	(erf) = vpow2.f32 v36  }
0x10a: {  	v38 =	vsel vm1, v57, v58;
	v35 =	vmul.f32 $1.442695020e+00, v35;
	v62, v63, _ =	vpop (xrf1);
	v36 =	vsel vm1, v56, v61  }
0x10b: {  	v34 =	vsub.f32 v40, v34;
	v40 =	vpop (erf);
	v37 =	vperm.xlane v62, v8;
	(xrf1) =	vsort.dscd.msk.f32 $0xffff, v38, v36  }
0x10c: {  	v41 =	vpop (erf);
	v46 =	vperm.xlane v63, v8;
	(erf) = vpow2.f32 v35  }
0x10d: {  	v53 =	vpop (erf);
	vm1 =	vge.f32 v60, v37  }
0x10e: {  	v34 =	vmul.f32 $1.442695020e+00, v34;
	v37 =	vsel vm1, v60, v37;
	v39 =	vsel vm1, v59, v46;
	v36, v38, _ =	vpop (xrf1)  }
0x10f: {  	(xrf1) =	vsort.dscd.msk.f32 $0xffff, v37, v39;
	v47 =	vperm.xlane v36, v8;
	v49, v48, _ =	vpop (xrf1)  }
0x110: {  	(erf) = vpow2.f32 v34;
	v50 =	vperm.xlane v38, v8;
	v51, v52, _ =	vpop (xrf1)  }
0x111: {  	v39 =	vnsel vm0, $0x0, v53;
	vm1 =	vge.f32 v49, v47;
	v37 =	vperm.xlane v51, v8;
	v56, v55, _ =	vpop (xrf1)  }
0x112: {  	(xrf2) =	vadd.scan.msk.f32 $0xffff, v39;
	v35 =	vsel vm1, v49, v47;
	v34 =	vsel vm1, v48, v50;
	v54 =	vperm.xlane v52, v8;
	v57 =	vpop (erf)  }
0x113: {  	(xrf1) =	vsort.dscd.msk.f32 $0xffff, v35, v34;
	v34 =	vnsel vm0, $0x0, v57;
	vm1 =	vge.f32 v56, v37  }
0x114: {  	(xrf2) =	vadd.scan.msk.f32 $0xffff, v34;
	v58 =	vsel vm1, v56, v37;
	v36 =	vsel vm1, v55, v54  }
0x115: {  	v59 =	vpop (erf);
	(xrf1) =	vsort.dscd.msk.f32 $0xffff, v58, v36  }
0x116: {  	v35 =	vnsel vm0, $0x0, v59  }
0x117: {  	(xrf2) =	vadd.scan.msk.f32 $0xffff, v35;
	_ =	sdelay $0x1  }
0x118: {  	v37, v38, _ =	vpop (xrf1)  }
0x119: {  	v60 =	vpop (erf);
	(xrf0) =	vmax.scan.msk.f32 $0xffff, v37  }
0x11a: {  	v36 =	vnsel vm0, $0x0, v60  }
0x11b: {  	(xrf2) =	vadd.scan.msk.f32 $0xffff, v36  }
0x11c: {  	v42, v43, _ =	vpop (xrf1)  }
0x11d: {  	v61, _, _ =	vpop (xrf2);
	(xrf0) =	vmax.scan.msk.f32 $0xffff, v42  }
0x11e: {  	v62, _, _ =	vpop (xrf2)  }
0x11f: {  	v55, _, _ =	vpop (xrf0)  }
0x120: {  	v57, _, _ =	vpop (xrf2)  }
0x121: {  	v63, v48, _ =	vpop (xrf1)  }
0x122: {  	v44 =	vbroadcast v61, $0xF;
	(xrf0) =	vmax.scan.msk.f32 $0xffff, v63;
	v56, v51, _ =	vpop (xrf1)  }
0x123: {  	v46 =	vbroadcast v62, $0xF;
	v49 =	vbroadcast v55, $0xF;
	v52, _, _ =	vpop (xrf0);
	(xrf0) =	vmax.scan.msk.f32 $0xffff, v56  }
0x124: {  	(erf) = vrcp.f32 v44;
	v44 =	vbroadcast v57, $0xF  }
0x125: {  	(erf) = vrcp.f32 v46;
	v58, _, _ =	vpop (xrf2);
	v37 =	vsub.f32 v37, v49  }
0x126: {  	v46 =	vbroadcast v58, $0xF;
	(erf) = vrcp.f32 v44  }
0x127: {  	v59 =	vbroadcast v52, $0xF;
	v37 =	vmul.f32 $1.442695020e+00, v37  }
0x128: {  	(erf) = vrcp.f32 v46;
	v60, _, _ =	vpop (xrf0)  }
0x129: {  	v42 =	vsub.f32 v42, v59;
	(erf) = vpow2.f32 v37;
	v61, _, _ =	vpop (xrf0)  }
0x12a: {  	v44 =	vbroadcast v60, $0xF;
	v37 =	vbroadcast v61, $0xF  }
0x12b: {  	v42 =	vmul.f32 $1.442695020e+00, v42  }
0x12c: {  	v44 =	vsub.f32 v63, v44;
	v37 =	vsub.f32 v56, v37  }
0x12d: {  	(erf) = vpow2.f32 v42  }
0x12e: {  	v62 =	vmul.f32 $1.442695020e+00, v44;
	v37 =	vmul.f32 $1.442695020e+00, v37;
	_ =	sdelay $0x1  }
0x12f: {  	v63 =	vpop (erf);
	(erf) = vpow2.f32 v62  }
0x130: {  	v44 =	vpop (erf)  }
0x131: {  	(erf) = vpow2.f32 v37;
	v37 =	vpop (erf)  }
0x132: {  	v46 =	vpop (erf)  }
0x133: {  	v54 =	vpop (erf)  }
0x134: {  	v47 =	vnsel vm0, $0x0, v54  }
0x135: {  	v55 =	vpop (erf);
	(xrf2) =	vadd.scan.msk.f32 $0xffff, v47  }
0x136: {  	v49 =	vnsel vm0, $0x0, v55  }
0x137: {  	(xrf2) =	vadd.scan.msk.f32 $0xffff, v49  }
0x138: {  	v56 =	vpop (erf)  }
0x139: {  	v50 =	vnsel vm0, $0x0, v56  }
0x13a: {  	(xrf2) =	vadd.scan.msk.f32 $0xffff, v50;
	v57 =	vpop (erf)  }
0x13b: {  	v52 =	vnsel vm0, $0x0, v57  }
0x13c: {  	v23 =	vmul.f32 v29, v23;
	(xrf2) =	vadd.scan.msk.f32 $0xffff, v52;
	_ =	sdelay $0x1  }
0x13d: {  	[tilespmem:v10+s10+$0x0] =	vst.idx.msk $0xff, v23  }
0x13e: {  	[tilespmem:v10+s11+$0x0] =	vst.idx.msk $0xff, v20;
	v10 =	vmul.f32 v40, v26;
	v59, _, _ =	vpop (xrf2)  }
0x13f: {  	v58 =	vmul.f32 v45, v24;
	v60 =	vbroadcast v59, $0xF  }
0x140: {  	[tilespmem:v12+s10+$0x0] =	vst.idx.msk $0xff, v10;
	v61, _, _ =	vpop (xrf2)  }
0x141: {  	[tilespmem:v11+s10+$0x0] =	vst.idx.msk $0xff, v58;
	v10 =	vbroadcast v61, $0xF;
	(erf) = vrcp.f32 v60  }
0x142: {  	[tilespmem:v11+s11+$0x0] =	vst.idx.msk $0xff, v17;
	v11 =	vmul.f32 v41, v27  }
0x143: {  	[tilespmem:v12+s11+$0x0] =	vst.idx.msk $0xff, v19;
	v62 =	vmul.f32 v63, v39;
	v63, _, _ =	vpop (xrf2);
	(erf) = vrcp.f32 v10  }
0x144: {  	[tilespmem:v9+s10+$0x0] =	vst.idx.msk $0xff, v11;
	v11 =	vbroadcast v63, $0xF  }
0x145: {  	[tilespmem:v9+s11+$0x0] =	vst.idx.msk $0xff, v18;
	v9 =	vmul.f32 v44, v34;
	v10, _, _ =	vpop (xrf2)  }
0x146: {  	[tilespmem:v13+s10+$0x0] =	vst.idx.msk $0xff, v62;
	(erf) = vrcp.f32 v11;
	v10 =	vbroadcast v10, $0xF  }
0x147: {  	[tilespmem:v13+s11+$0x0] =	vst.idx.msk $0xff, v28  }
0x148: {  	[tilespmem:v14+s10+$0x0] =	vst.idx.msk $0xff, v9;
	v9 =	vmul.f32 v46, v36;
	(erf) = vrcp.f32 v10  }
0x149: {  	[tilespmem:v14+s11+$0x0] =	vst.idx.msk $0xff, v32  }
0x14a: {  	[tilespmem:v16+s10+$0x0] =	vst.idx.msk $0xff, v9;
	v11 =	vmul.f32 v37, v35;
	v10 =	vpop (erf)  }
0x14b: {  	[tilespmem:v16+s11+$0x0] =	vst.idx.msk $0xff, v33;
	v9 =	vmul.f32 v10, v47  }
0x14c: {  	[tilespmem:v15+s10+$0x0] =	vst.idx.msk $0xff, v11;
	v10 =	vpop (erf)  }
0x14d: {  	[tilespmem:v22+s10+$0x0] =	vst.idx.msk $0xff, v9;
	v9 =	vmul.f32 v10, v49  }
0x14e: {  	[tilespmem:v15+s11+$0x0] =	vst.idx.msk $0xff, v31  }
0x14f: {  	v10 =	vpop (erf);
	[tilespmem:v22+s11+$0x0] =	vst.idx.msk $0xff, v38  }
0x150: {  	v10 =	vmul.f32 v10, v50;
	[tilespmem:v21+s10+$0x0] =	vst.idx.msk $0xff, v9  }
0x151: {  	[tilespmem:v21+s11+$0x0] =	vst.idx.msk $0xff, v43;
	v9 =	vpop (erf)  }
0x152: {  	[tilespmem:v25+s10+$0x0] =	vst.idx.msk $0xff, v10;
	v9 =	vmul.f32 v9, v52  }
0x153: {  	[tilespmem:v25+s11+$0x0] =	vst.idx.msk $0xff, v48  }
0x154: {  	[tilespmem:v30+s10+$0x0] =	vst.idx.msk $0xff, v9  }
0x155: {  	[tilespmem:v30+s11+$0x0] =	vst.idx.msk $0xff, v51  }
0x156: {  	[hbm4b:s4+s2] =	stream.linear.scatter [tilespmem:s10], [sflag:$0x1], $0x800, $0x38;
	[tilespmem:$0x5000] =	vst v63  }
0x157: {  	s12 =	sadd.s32 $0x1, s12;
	_ =	swait.ge [sflag:s9], $0x800  }
0x158: {  	p0 =	sne.s32 s12, s6;
	[sflag:s9] =	ssyncset.done $0x0  }
.Ltmp1:
0x159: {  	[sflag:s9] =	ssyncadd.s32 $0xFFFFF800;
	(pc) =	sbr.rel @p0 .LBB2_1-.Ltmp1, $4  }
0x15a: {  	[hbm4b:s5+s2] =	stream.linear.scatter [tilespmem:s11], [sflag:$0x1], $0x800, $0x38;
	[tilespmem:$0x5000] =	vst v63  }
0x15b: {  	_ =	swait.ge [sflag:s9], $0x800  }
0x15c: {  	[sflag:s9] =	ssyncset.done $0x0  }
0x15d: {  	[sflag:s9] =	ssyncadd.s32 $0xFFFFF800  }
0x15e: {  	_ =	sfence.sel $0x180000  }
0x15f: {  	[bflag:$0x0] =	sbarrier.arrive $0xFFFF  }
0x160: {  	p0 =	sne.s32 s0, $0x0;
	_ =	strace $0x9000004A  }
0x161: {  	s0 =	sadd.s32 @!p0 $0x100000, s1;
	[bflag:$0x2] =	sbarrier.arrive $0xFFFF  }
0x162: {  	[sflag:s0] =	ssyncadd.tile.s32 @!p0 $0x1;
	_ =	shalt  }
.Lfunc_end2:
_tile_overlayer_lowered:
.L_overlay_start_2:
0x163: {  	(tag) =	ssettag $0x2  }
0x164: {  	s0 =	rddreg [dreg:$0x0];
	s2 =	stileid.u32  }
0x165: {  	s1 =	rddreg [dreg:$0x1];
	p0 =	sne.s32 s2, $0x0  }
0x166: {  	s3 =	rddreg [dreg:$0x2];
	[bflag:$0x3] =	sbarrier.arrive $0xFFFF;
	s2 =	simm.s32 @!p0 $0x1C01  }
0x167: {  	[timem:s3], [sflag:s2] =	dma.local @!p0 [hbm:s0], s1  }
0x168: {  	s0 =	simm.s32 @!p0 $0x1  }
0x169: {  	_ =	swait.ge @!p0 [sflag:s0], s1  }
0x16a: {  	s1 =	ssub.s32 @!p0 $0x0, s1;
	[sflag:s0] =	ssyncset.done @!p0 $0x0  }
0x16b: {  	[sflag:s0] =	ssyncadd.s32 @!p0 s1  }
0x16c: {  	[bflag:$0x3] =	sbarrier.arrive $0xFFFF  }
0x16d: {  	_ =	shalt  }

// kernel: kernel.9.cloned.1.call-start
scs
__scs_entry_jumppad:
0x0: {  	(pc) =	sbr.rel $0x88, $3  }
0x1: {  	(tag) =	ssettag $0x0;
	lr =	simm.s32 $0x1  }
0x2: {  	[smem:$0x3F9F] =	sst lr;
	_ =	strace $0xD0000000  }
0x3: {  	_ = 	snop  }
0x4: {  	_ = 	snop  }
0x5: {  	_ = 	snop  }
0x6: {  	_ = 	snop  }
0x7: {  	_ = 	snop  }
__scs_overlays_trampoline_lowered:
0x8: {  	[smem:$0x3FAE] =	sst s0  }
0x9: {  	[smem:$0x3FAF] =	sst s1  }
0xa: {  	[smem:$0x3FB0] =	sst s2  }
0xb: {  	[smem:$0x3FB1] =	sst s3  }
0xc: {  	[smem:$0x3FB2] =	sst s4  }
0xd: {  	[smem:$0x3FB3] =	sst s5  }
0xe: {  	[smem:$0x3FB4] =	sst s6  }
0xf: {  	[smem:$0x3FB5] =	sst s7  }
0x10: {  	[smem:$0x3FB6] =	sst s8  }
0x11: {  	[smem:$0x3FB7] =	sst s9;
	s0 =	simm.s32 @!p0 $0x0  }
0x12: {  	s1 =	sld [smem:$0x3F9D];
	s0 =	simm.s32 @p0 $0x1  }
0x13: {  	[smem:$0x3FB8] =	sst s0;
	s0 =	simm.s32 @!p1 $0x0  }
0x14: {  	s2 =	sld [smem:$0x3F9C];
	s0 =	simm.s32 @p1 $0x1  }
0x15: {  	[smem:$0x3FB9] =	sst s0;
	s0 =	simm.s32 @!p2 $0x0  }
0x16: {  	s3 =	sld [smem:$0x3FDB];
	s0 =	simm.s32 @p2 $0x1  }
0x17: {  	s4 =	simm.s32 $0x1BF5;
	[smem:$0x3FBB] =	sst s0  }
0x18: {  	s0 =	sld [smem:$0x3F9E];
	_ =	swait.ge [sflag:s4], $0x0  }
0x19: {  	s7 =	sld [smem:$0x3F9F]  }
0x1a: {  	s8 =	sadd.s32 $0xFFFFE003, lr  }
0x1b: {  	s9 =	sadd.s32 $0xFFFFFEF7, lr;
	s5 =	simm.s32 $0xFFFFFFFF;
	p2 =	slt.u32 s8, $0xFFFFF086  }
0x1c: {  	p1 =	slt.u32 s9, $0xF7A;
	s5 =	simm.s32 @!p2 $0x0  }
0x1d: {  	s5 =	simm.s32 @p1 $0x1;
	p0 =	seq.s32 s7, s2  }
0x1e: {  	s7 =	smul.u32 @!p0 $0xF7A, s2;
	p2 =	seq.s32 @!p0 s5, $0x0  }
0x1f: {  	s9 =	smul.u32 $0xF7A, s1;
	s8 =	simm.s32 @!p0 $0x1BF5;
	p2 =	por !p2, p0  }
0x20: {  	[sflag:s8] =	ssyncset.s32 @!p0 $0xFFFFF086;
	s6 =	sadd.s32 @!p0 s3, s7;
	s7 =	simm.s32 @!p0 $0x108  }
0x21: {  	s3 =	sadd.s32 s3, s9;
	s6 =	sadd.s32 @!p0 $0x88, s6;
	s7 =	simm.s32 @p2 $0x1082  }
0x22: {  	[simem:s7], [sflag:s8] =	dma.local @!p0 [hbm:s6], $0xF7A  }
0x23: {  	s9 =	sor.u32 $0xD0000000, s2;
	s6 =	simm.s32 $0x108;
	_ =	swait.ge @!p0 [sflag:s8], $0x0  }
0x24: {  	s3 =	sadd.s32 $0x88, s3;
	s6 =	simm.s32 @!p1 $0x1082;
	[sflag:s4] =	ssyncset.s32 $0xFFFFF086  }
0x25: {  	[simem:s6], [sflag:s4] =	dma.local [hbm:s3], $0xF7A  }
0x26: {  	[smem:$0x3F9F] =	sst s1;
	(tag) =	ssettag s2;
	_ =	strace s9  }
0x27: {  	s1 =	sld [smem:$0x3FAF]  }
0x28: {  	s2 =	sld [smem:$0x3FB0]  }
0x29: {  	s4 =	sld [smem:$0x3FB2]  }
0x2a: {  	p0 =	seq.s32 s5, $0x0;
	s5 =	sld [smem:$0x3FB3]  }
0x2b: {  	s6 =	sld [smem:$0x3FB4]  }
0x2c: {  	s7 =	sld [smem:$0x3FB5]  }
0x2d: {  	s3 =	simm.s32 $0x108;
	s8 =	sld [smem:$0x3FB6]  }
0x2e: {  	s3 =	simm.s32 @!p0 $0x1082;
	s9 =	sld [smem:$0x3FB7]  }
0x2f: {  	lr =	sadd.s32 s0, s3;
	s0 =	sld [smem:$0x3FAE]  }
0x30: {  	s3 =	sld [smem:$0x3FB1]  }
0x31: {  	[smem:$0x3FBA] =	sst s10  }
0x32: {  	s10 =	sld [smem:$0x3FB8];
	_ =	sdelay $0x3  }
0x33: {  	p0 =	seq.s32 s10, $0x1;
	s10 =	sld [smem:$0x3FBA];
	_ =	sdelay $0x3  }
0x34: {  	[smem:$0x3FBA] =	sst s10  }
0x35: {  	s10 =	sld [smem:$0x3FB9];
	_ =	sdelay $0x3  }
0x36: {  	p1 =	seq.s32 s10, $0x1;
	s10 =	sld [smem:$0x3FBA];
	_ =	sdelay $0x3  }
0x37: {  	[smem:$0x3FBA] =	sst s10  }
0x38: {  	s10 =	sld [smem:$0x3FBB]  }
0x39: {  	_ = 	snop;
	(pc) =	sbr.ind lr, $3  }
0x3a: {  	_ = 	snop  }
0x3b: {  	_ = 	snop  }
0x3c: {  	p2 =	seq.s32 s10, $0x1;
	s10 =	sld [smem:$0x3FBA]  }
0x3d: {  	_ =	shalt  }
0x3e: {  	_ =	shalt  }
0x3f: {  	_ =	shalt  }
0x40: {  	_ =	shalt  }
0x41: {  	_ =	shalt  }
0x42: {  	_ =	shalt  }
0x43: {  	_ =	shalt  }
0x44: {  	_ =	shalt  }
0x45: {  	_ =	shalt  }
0x46: {  	_ =	shalt  }
0x47: {  	_ =	shalt  }
0x48: {  	_ =	shalt  }
0x49: {  	_ =	shalt  }
0x4a: {  	_ =	shalt  }
0x4b: {  	_ =	shalt  }
0x4c: {  	_ =	shalt  }
0x4d: {  	_ =	shalt  }
0x4e: {  	_ =	shalt  }
0x4f: {  	_ =	shalt  }
0x50: {  	_ =	shalt  }
0x51: {  	_ =	shalt  }
0x52: {  	_ =	shalt  }
0x53: {  	_ =	shalt  }
0x54: {  	_ =	shalt  }
0x55: {  	_ =	shalt  }
0x56: {  	_ =	shalt  }
0x57: {  	_ =	shalt  }
0x58: {  	_ =	shalt  }
0x59: {  	_ =	shalt  }
0x5a: {  	_ =	shalt  }
0x5b: {  	_ =	shalt  }
0x5c: {  	_ =	shalt  }
0x5d: {  	_ =	shalt  }
0x5e: {  	_ =	shalt  }
0x5f: {  	_ =	shalt  }
0x60: {  	_ =	shalt  }
0x61: {  	_ =	shalt  }
0x62: {  	_ =	shalt  }
0x63: {  	_ =	shalt  }
0x64: {  	_ =	shalt  }
0x65: {  	_ =	shalt  }
0x66: {  	_ =	shalt  }
0x67: {  	_ =	shalt  }
0x68: {  	_ =	shalt  }
0x69: {  	_ =	shalt  }
0x6a: {  	_ =	shalt  }
0x6b: {  	_ =	shalt  }
0x6c: {  	_ =	shalt  }
0x6d: {  	_ =	shalt  }
0x6e: {  	_ =	shalt  }
0x6f: {  	_ =	shalt  }
0x70: {  	_ =	shalt  }
0x71: {  	_ =	shalt  }
0x72: {  	_ =	shalt  }
0x73: {  	_ =	shalt  }
0x74: {  	_ =	shalt  }
0x75: {  	_ =	shalt  }
0x76: {  	_ =	shalt  }
0x77: {  	_ =	shalt  }
0x78: {  	_ =	shalt  }
0x79: {  	_ =	shalt  }
0x7a: {  	_ =	shalt  }
0x7b: {  	_ =	shalt  }
0x7c: {  	_ =	shalt  }
0x7d: {  	_ =	shalt  }
0x7e: {  	_ =	shalt  }
0x7f: {  	_ =	shalt  }
0x80: {  	_ =	shalt  }
0x81: {  	_ =	shalt  }
0x82: {  	_ =	shalt  }
0x83: {  	_ =	shalt  }
0x84: {  	_ =	shalt  }
0x85: {  	_ =	shalt  }
0x86: {  	_ =	shalt  }
0x87: {  	_ =	shalt  }
.Lfunc_end0:
.L_simem_size_0:
called_computation.1_lowered:
.L_overlay_start_0:
0x88: {  	s2 =	sld [smem:$0x3FD9]  }
0x89: {  	s3 =	sld [smem:$0x3FFE];
	_ =	sdelay $0x1  }
0x8a: {  	s1 =	srdreg.scid  }
0x8b: {  	s0 =	sand.u32 $0x1, s1  }
0x8c: {  	s16 =	sshll.u32 s0, $0xA;
	s2 =	sadd.s32 s3, s2  }
0x8d: {  	s2 =	sadd.s32 s2, s16  }
0x8e: {  	[smem:$0x3FC6] =	sst s2  }
0x8f: {  	_ = 	snop  }
0x90: {  	(tm) =	ssettm $0x1  }
0x91: {  	s17 =	sld [smem:$0x3FFB];
	_ =	sdelay $0x3  }
0x92: {  	_ =	strace s17  }
0x93: {  	s2 =	sld [smem:$0x3FFC];
	_ =	sdelay $0x3  }
0x94: {  	_ =	strace s2  }
0x95: {  	s2 =	sld [smem:$0x3FFD];
	_ =	sdelay $0x3  }
0x96: {  	_ =	strace s2  }
0x97: {  	_ =	strace $0x8FFFFFFF  }
0x98: {  	s18 =	sld [smem:$0x3FDB];
	_ =	sdelay $0x1  }
0x99: {  	s19 =	simm.s32 $_scs_section_size  }
0x9a: {  	s4 =	simm.s32 $_size__tile_overlayer_lowered;
	s5 =	simm.s32 $_tile_overlayer_lowered  }
0x9b: {  	s22 =	simm.s32 $0x1BFF;
	s21 =	sshll.u32 s5, $0x1;
	s2 =	sadd.s32 s19, s18  }
0x9c: {  	s6 =	simm.s32 $0x0;
	s20 =	sshll.u32 s4, $0x1;
	s4 =	sadd.s32 s21, s2  }
0x9d: {  	[timem:s6], [sflag:s22] =	dma.local [hbm:s4], s20  }
0x9e: {  	_ =	swait.ge [sflag:s22], s20  }
0x9f: {  	s3 =	ssub.s32 $0x0, s20;
	[sflag:s22] =	ssyncset.done $0x0  }
0xa0: {  	[sflag:s22] =	ssyncadd.s32 s3;
	_ =	sdelay $0x1  }
0xa1: {  	s23 =	simm.s32 $0x1B8B  }
0xa2: {  	_ =	swait.ge [sflag:s23], $0x1  }
0xa3: {  	[sflag:s23] =	ssyncset.done $0x0  }
0xa4: {  	s25 =	simm.s32 $0x1B8E;
	s24 =	sld [smem:$0x3FFE];
	[sflag:s23] =	ssyncadd.s32 $0xFFFFFFFF  }
0xa5: {  	s26 =	simm.s32 $execute0_lowered;
	[smem:$0x3FD2] =	sst s25  }
0xa6: {  	s4 =	sshll.u32 s26, $0x1;
	_ =	strace $0x80000046;
	[dreg:$0x1] =	wrdreg $0xFFFFFFFF  }
0xa7: {  	s28 =	simm.s32 $_size_execute0_lowered;
	s2 =	sadd.s32 s2, s4;
	[dreg:$0x0] =	wrdreg $0x0  }
0xa8: {  	s4 =	sshll.u32 s28, $0x1;
	[dreg:$0x2] =	wrdreg s2  }
0xa9: {  	[dreg:$0x3] =	wrdreg s4  }
0xaa: {  	[dreg:$0x4] =	wrdreg $0xC0  }
0xab: {  	_ =	task [dreg:s6], $0x5FFFF  }
0xac: {  	[dreg:$0x1] =	wrdreg $0xFFFFFFFF  }
0xad: {  	[dreg:$0x0] =	wrdreg $0x60  }
0xae: {  	[dreg:$0x2] =	wrdreg s24  }
0xaf: {  	[dreg:$0x3] =	wrdreg $0xA  }
0xb0: {  	_ =	task.clear_ibuf [dreg:s6], $0x4FFFF;
	_ =	strace $0x90000046  }
0xb1: {  	s29 =	simm.s32 $0xA;
	_ =	strace $0x80000048  }
0xb2: {  	_ =	swait.ge [sflag:s29], $0x1  }
0xb3: {  	[sflag:s29] =	ssyncadd.s32 $0xFFFFFFFF  }
0xb4: {  	_ =	strace $0x90000048  }
0xb5: {  	_ =	sfence  }
0xb6: {  	s30 =	sld [smem:$0x0];
	_ =	sdelay $0x2  }
0xb7: {  	s31 =	sshll.u32 s1, $0xD;
	s1 =	sshrl.u32 s1, $0x2  }
0xb8: {  	s3 =	sand.u32 $0x4000, s31;
	s1 =	sadd.s32 s1, s30  }
0xb9: {  	s0 =	sor.u32 s3, s0;
	s1 =	sshll.u32 s1, $0x11  }
0xba: {  	s0 =	sor.u32 s1, s0  }
0xbb: {  	s0 =	sadd.s32 $0x8F2B, s0  }
0xbc: {  	[sflag:s0] =	ssyncadd.remote.s32 $0x1  }
0xbd: {  	_ =	sfence.sel $0xFFFF  }
0xbe: {  	[dreg:$0x0] =	wrdreg $0xFFFFFFFF;
	(pc) =	sbr.abs _section_cstart, $3  }
0xbf: {  	[dreg:$0x1] =	wrdreg $0xFFFFFFFF  }
0xc0: {  	_ =	task.clear_ibuf [dreg:s6], $0x2FFFF;
	_ =	strace $0x9FFFFFFF  }
0xc1: {  	(tm) =	ssettm $0x7FFFFFFF  }
tec
execute0_lowered:
.L_overlay_start_1:
0x0: {  	(tag) =	ssettag $0x1  }
0x1: {  	v0 =	vimm.s32 $0xB80;
	vm14 =	vcmask $0x300  }
0x2: {  	vm13 =	vcmask $0x704;
	vm12 =	vcmask $0xB08;
	vm11 =	vcmask $0xF0C  }
0x3: {  	vm10 =	vcmask $0x1310;
	vm9 =	vcmask $0x1714;
	vm8 =	vcmask $0x1B18  }
0x4: {  	vm7 =	vcmask $0x1F1C;
	vm6 =	vcmask $0x2320;
	vm5 =	vcmask $0x2724  }
0x5: {  	vm4 =	vcmask $0x2B28;
	vm3 =	vcmask $0x2F2C;
	vm2 =	vcmask $0x3330  }
0x6: {  	vm1 =	vcmask $0x3734;
	v1 =	vimm.s32 $0x1B80;
	vm0 =	vcmask $0x3B38  }
0x7: {  	v3 =	vimm.s32 $0x2B80;
	v4 =	vimm.s32 $0x3B80;
	v0 =	vsel vm14, $0x0, v0  }
0x8: {  	v2 =	vsel vm14, $0x1000, v1;
	v1 =	vlaneseq.u32;
	v3 =	vsel vm14, $0x2000, v3  }
0x9: {  	v4 =	vsel vm14, $0x3000, v4;
	v0 =	vsel vm13, $0x80, v0;
	v2 =	vsel vm13, $0x1080, v2  }
0xa: {  	v3 =	vsel vm13, $0x2080, v3;
	v4 =	vsel vm13, $0x3080, v4;
	v8 =	vmul.u32 $0xFFFFFFFF, v1  }
0xb: {  	v7 =	vor.u32 $0x30, v1;
	v0 =	vsel vm12, $0x100, v0;
	v2 =	vsel vm12, $0x1100, v2  }
0xc: {  	v3 =	vsel vm12, $0x2100, v3;
	v4 =	vsel vm12, $0x3100, v4;
	v0 =	vsel vm11, $0x180, v0  }
0xd: {  	v2 =	vsel vm11, $0x1180, v2;
	v3 =	vsel vm11, $0x2180, v3;
	v4 =	vsel vm11, $0x3180, v4  }
0xe: {  	v8 =	vadd.s32 $0xF, v8;
	v0 =	vsel vm10, $0x200, v0;
	v2 =	vsel vm10, $0x1200, v2  }
0xf: {  	v3 =	vsel vm10, $0x2200, v3;
	v4 =	vsel vm10, $0x3200, v4;
	v0 =	vsel vm9, $0x280, v0  }
0x10: {  	v2 =	vsel vm9, $0x1280, v2;
	v3 =	vsel vm9, $0x2280, v3;
	v4 =	vsel vm9, $0x3280, v4  }
0x11: {  	v0 =	vsel vm8, $0x300, v0;
	v2 =	vsel vm8, $0x1300, v2;
	v3 =	vsel vm8, $0x2300, v3  }
0x12: {  	s0 =	stileid.u32;
	s3 =	rddreg [dreg:$0x0];
	v4 =	vsel vm8, $0x3300, v4;
	v0 =	vsel vm7, $0x380, v0;
	v2 =	vsel vm7, $0x1380, v2  }
0x13: {  	s2 =	srdreg.scid;
	s1 =	rddreg [dreg:$0x1];
	v3 =	vsel vm7, $0x2380, v3;
	v4 =	vsel vm7, $0x3380, v4;
	v0 =	vsel vm6, $0x800, v0  }
0x14: {  	s9 =	simm.s32 $0x1;
	s10 =	simm.s32 $0x4000;
	s11 =	simm.s32 $0x4800;
	v2 =	vsel vm6, $0x1800, v2;
	v3 =	vsel vm6, $0x2800, v3;
	v4 =	vsel vm6, $0x3800, v4  }
0x15: {  	s4 =	sshll.u32 s0, $0x1;
	s5 =	sand.u32 $0x1, s2;
	s2 =	simm.s32 $0x0;
	v0 =	vsel vm5, $0x880, v0;
	v2 =	vsel vm5, $0x1880, v2;
	v3 =	vsel vm5, $0x2880, v3  }
0x16: {  	s6 =	sshrl.u32 s0, $0x3;
	s4 =	sand.u32 $0xE, s4;
	[smem:$0x7FF] =	sst s2;
	v4 =	vsel vm5, $0x3880, v4;
	v0 =	vsel vm4, $0x900, v0;
	v2 =	vsel vm4, $0x1900, v2  }
0x17: {  	s7 =	sshll.u32 s6, $0x12;
	s6 =	sshll.u32 s6, $0xF;
	s4 =	sor.u32 s5, s4;
	v3 =	vsel vm4, $0x2900, v3;
	v4 =	vsel vm4, $0x3900, v4;
	v0 =	vsel vm3, $0x980, v0  }
0x18: {  	s12 =	simm.s32 $0x0;
	_ =	strace $0x80000047;
	s4 =	sshll.u32 s4, $0xB;
	v2 =	vsel vm3, $0x1980, v2;
	v5 =	vsel vm3, $0x2980, v3;
	v4 =	vsel vm3, $0x3980, v4  }
0x19: {  	s5 =	ssub.s32 $0x2, s5;
	s7 =	sor.u32 s7, s4;
	s4 =	sor.u32 s6, s4;
	v3 =	vor.u32 $0x10, v1;
	v0 =	vsel vm2, $0xA00, v0;
	v2 =	vsel vm2, $0x1A00, v2  }
0x1a: {  	s31 =	sshrl.u32 s5, $0x1;
	s7 =	sshrl.u32 s7, $0x3;
	s4 =	sshrl.u32 s4, $0x3;
	v5 =	vsel vm2, $0x2A00, v5;
	v4 =	vsel vm2, $0x3A00, v4;
	v0 =	vsel vm1, $0xA80, v0  }
0x1b: {  	s30 =	sadd.s32 s7, s3;
	s8 =	sadd.s32 s4, s3;
	s7 =	ssub.s32 s5, s31;
	v2 =	vsel vm1, $0x1A80, v2;
	v5 =	vsel vm1, $0x2A80, v5;
	v6 =	vsel vm1, $0x3A80, v4  }
0x1c: {  	s3 =	sadd.s32 $0x1A00, s30;
	s4 =	sadd.s32 $0x11A00, s8;
	s5 =	sadd.s32 $0x13A00, s8;
	v0 =	vsel vm0, $0xB00, v0;
	v2 =	vsel vm0, $0x1B00, v2;
	v4 =	vsel vm0, $0x2B00, v5  }
0x1d: {  	s6 =	smax.u32 s7, $0x1;
	s7 =	simm.s32 $0x800;
	s8 =	simm.s32 $0x8000;
	v5 =	vor.u32 $0x20, v1;
	v6 =	vsel vm0, $0x3B00, v6;
	vm0 =	vmmov $0xff  }
.LBB2_1:
0x1e: {  	v9 =	vmov s2  }
0x1f: {  	v10 =	vshll.u32 v9, $0x3  }
0x20: {  	v9 =	vand.u32 $0x7C, v9;
	v10 =	vand.u32 $0x400, v10  }
0x21: {  	v9 =	vor.u32 v9, v10  }
0x22: {  	v10 =	vor.u32 v6, v9  }
0x23: {  	[tilespmem:s2], [sflag:$0x1] =	stream.strided.gather [hbm4b:s3+s7], $0x4000, s8, s7, $0x38;
	[tilespmem:$0x5000] =	vst v63  }
0x24: {  	_ =	swait.ge [sflag:s9], $0x4000;
	v11 =	vor.u32 v4, v9  }
0x25: {  	[sflag:s9] =	ssyncset.done $0x0  }
0x26: {  	[sflag:s9] =	ssyncadd.s32 $0xFFFFC000  }
0x27: {  	s13 =	simm.s32 $0x3;
	v12 =	vld.idx.msk [tilespmem:v10+s2+$0x0], $0xffff  }
0x28: {  	v13 =	vmov s13  }
0x29: {  	v14 =	vshll.u32 v13, $0x3;
	v15 =	vld.idx.msk [tilespmem:v11+s2+$0x0], $0xffff;
	v10 =	vor.u32 v0, v9  }
0x2a: {  	v11 =	vand.u32 $0x7F, v13;
	v13 =	vand.u32 $0x400, v14;
	v9 =	vor.u32 v2, v9  }
0x2b: {  	v13 =	vor.u32 v11, v13  }
0x2c: {  	s21 =	simm.s32 $0x2;
	v14 =	vor.u32 v2, v13;
	(xrf1) =	vsort.dscd.msk.f32 $0xffff, v12, v7  }
0x2d: {  	v12 =	vmov s21  }
0x2e: {  	v11 =	vor.u32 v0, v13;
	v17 =	vshll.u32 v12, $0x3;
	(xrf1) =	vsort.dscd.msk.f32 $0xffff, v15, v5;
	v15 =	vld.idx.msk [tilespmem:v10+s2+$0x0], $0xffff  }
0x2f: {  	v16 =	vor.u32 v6, v13;
	v9 =	vld.idx.msk [tilespmem:v9+s2+$0x0], $0xffff;
	v12 =	vand.u32 $0x7E, v12;
	v17 =	vand.u32 $0x400, v17  }
0x30: {  	v13 =	vor.u32 v4, v13;
	v17 =	vor.u32 v12, v17  }
0x31: {  	v14 =	vld.idx.msk [tilespmem:v14+s2+$0x0], $0xffff;
	v18 =	vor.u32 v2, v17  }
0x32: {  	s22 =	simm.s32 $0x1;
	v19 =	vor.u32 v6, v17  }
0x33: {  	v21 =	vmov s22;
	v20 =	vld.idx.msk [tilespmem:v11+s2+$0x0], $0xffff;
	(xrf1) =	vsort.dscd.msk.f32 $0xffff, v15, v1  }
0x34: {  	v16 =	vld.idx.msk [tilespmem:v16+s2+$0x0], $0xffff;
	v12 =	vor.u32 v0, v17;
	v15 =	vshll.u32 v21, $0x3;
	(xrf1) =	vsort.dscd.msk.f32 $0xffff, v9, v3  }
0x35: {  	v17 =	vor.u32 v4, v17;
	v9 =	vld.idx.msk [tilespmem:v13+s2+$0x0], $0xffff;
	v13 =	vand.u32 $0x7D, v21;
	v15 =	vand.u32 $0x400, v15  }
0x36: {  	v13 =	vor.u32 v13, v15;
	(xrf1) =	vsort.dscd.msk.f32 $0xffff, v14, v3;
	v15 =	vld.idx.msk [tilespmem:v18+s2+$0x0], $0xffff  }
0x37: {  	v14 =	vor.u32 v6, v13;
	v18 =	vld.idx.msk [tilespmem:v19+s2+$0x0], $0xffff  }
0x38: {  	(xrf1) =	vsort.dscd.msk.f32 $0xffff, v20, v1;
	v19 =	vor.u32 v2, v13  }
0x39: {  	v20 =	vld.idx.msk [tilespmem:v12+s2+$0x0], $0xffff;
	(xrf1) =	vsort.dscd.msk.f32 $0xffff, v16, v7;
	v16 =	vor.u32 v4, v13  }
0x3a: {  	v17 =	vld.idx.msk [tilespmem:v17+s2+$0x0], $0xffff;
	(xrf1) =	vsort.dscd.msk.f32 $0xffff, v9, v5;
	v9 =	vor.u32 v0, v13;
	v21, v22, _ =	vpop (xrf1)  }
0x3b: {  	(xrf1) =	vsort.dscd.msk.f32 $0xffff, v15, v3;
	v13 =	vperm.xlane v21, v8  }
0x3c: {  	v14 =	vld.idx.msk [tilespmem:v14+s2+$0x0], $0xffff;
	(xrf1) =	vsort.dscd.msk.f32 $0xffff, v18, v7;
	v18, v21, _ =	vpop (xrf1)  }
0x3d: {  	v19 =	vld.idx.msk [tilespmem:v19+s2+$0x0], $0xffff;
	v15 =	vperm.xlane v22, v8;
	vm1 =	vge.f32 v18, v13  }
0x3e: {  	v16 =	vld.idx.msk [tilespmem:v16+s2+$0x0], $0xffff;
	(xrf1) =	vsort.dscd.msk.f32 $0xffff, v20, v1;
	v13 =	vsel vm1, v18, v13  }
0x3f: {  	(xrf1) =	vsort.dscd.msk.f32 $0xffff, v17, v5;
	v17 =	vld.idx.msk [tilespmem:v9+s2+$0x0], $0xffff;
	v15 =	vsel vm1, v21, v15  }
0x40: {  	(xrf1) =	vsort.dscd.msk.f32 $0xffff, v13, v15  }
0x41: {  	(xrf1) =	vsort.dscd.msk.f32 $0xffff, v14, v7;
	v13, v14, _ =	vpop (xrf1)  }
0x42: {  	(xrf1) =	vsort.dscd.msk.f32 $0xffff, v19, v3;
	v15, v18, _ =	vpop (xrf1)  }
0x43: {  	(xrf1) =	vsort.dscd.msk.f32 $0xffff, v16, v5;
	v15 =	vperm.xlane v15, v8  }
0x44: {  	v16, v19, _ =	vpop (xrf1);
	(xrf1) =	vsort.dscd.msk.f32 $0xffff, v17, v1;
	v17 =	vperm.xlane v18, v8  }
0x45: {  	vm1 =	vge.f32 v13, v15  }
0x46: {  	v20, v21, _ =	vpop (xrf1);
	v14 =	vsel vm1, v14, v17  }
0x47: {  	v18, v22, _ =	vpop (xrf1);
	v13 =	vsel vm1, v13, v15;
	v15 =	vperm.xlane v16, v8  }
0x48: {  	v16 =	vperm.xlane v18, v8;
	v22 =	vperm.xlane v22, v8  }
0x49: {  	v18 =	vperm.xlane v19, v8;
	v17, v19, _ =	vpop (xrf1)  }
0x4a: {  	(xrf1) =	vsort.dscd.msk.f32 $0xffff, v13, v14;
	vm1 =	vge.f32 v20, v15;
	vm2 =	vge.f32 v17, v16;
	v13, v14, _ =	vpop (xrf1)  }
0x4b: {  	s23 =	simm.s32 $0x4;
	v15 =	vsel vm1, v20, v15;
	v18 =	vsel vm1, v21, v18;
	v16 =	vsel vm2, v17, v16;
	v20, v21, _ =	vpop (xrf1)  }
0x4c: {  	v17 =	vmov s23;
	v19 =	vsel vm2, v19, v22;
	v20 =	vperm.xlane v20, v8;
	v22, v23, _ =	vpop (xrf1)  }
0x4d: {  	(xrf1) =	vsort.dscd.msk.f32 $0xffff, v15, v18;
	v15 =	vand.u32 $0x7C, v17;
	v17 =	vshll.u32 v17, $0x3;
	v18 =	vperm.xlane v21, v8;
	v21, v24, _ =	vpop (xrf1)  }
0x4e: {  	v13 =	vperm.xlane v13, v8;
	(xrf1) =	vsort.dscd.msk.f32 $0xffff, v16, v19;
	v16 =	vand.u32 $0x400, v17;
	vm1 =	vge.f32 v21, v20  }
0x4f: {  	v14 =	vperm.xlane v14, v8;
	v20 =	vsel vm1, v21, v20  }
0x50: {  	v17, v19, _ =	vpop (xrf1);
	v18 =	vsel vm1, v24, v18;
	vm1 =	vge.f32 v22, v13  }
0x51: {  	v15 =	vor.u32 v15, v16;
	v16, v21, _ =	vpop (xrf1);
	v14 =	vsel vm1, v23, v14  }
0x52: {  	v16 =	vperm.xlane v16, v8  }
0x53: {  	(xrf1) =	vsort.dscd.msk.f32 $0xffff, v20, v18;
	v13 =	vsel vm1, v22, v13;
	v18, v20, _ =	vpop (xrf1)  }
0x54: {  	(xrf1) =	vsort.dscd.msk.f32 $0xffff, v13, v14;
	v13 =	vperm.xlane v21, v8;
	v14, v21, _ =	vpop (xrf1);
	v18 =	vperm.xlane v18, v8  }
0x55: {  	v22 =	vor.u32 v6, v15;
	vm1 =	vge.f32 v14, v16  }
0x56: {  	v20 =	vperm.xlane v20, v8;
	v14 =	vsel vm1, v14, v16;
	v13 =	vsel vm1, v21, v13;
	v16, v21, _ =	vpop (xrf1)  }
0x57: {  	v23 =	vor.u32 v4, v15;
	vm1 =	vge.f32 v16, v18;
	(xrf1) =	vsort.dscd.msk.f32 $0xffff, v14, v13  }
0x58: {  	v13 =	vsel vm1, v16, v18;
	v14 =	vsel vm1, v21, v20;
	v16 =	vperm.xlane v17, v8  }
0x59: {  	(xrf1) =	vsort.dscd.msk.f32 $0xffff, v13, v14;
	v13 =	vperm.xlane v19, v8;
	v17, v18, _ =	vpop (xrf1)  }
0x5a: {  	vm1 =	vge.f32 v17, v16  }
0x5b: {  	v14 =	vld.idx.msk [tilespmem:v22+s2+$0x0], $0xffff;
	v16 =	vsel vm1, v17, v16;
	v17 =	vsel vm1, v18, v13  }
0x5c: {  	s24 =	simm.s32 $0x7  }
0x5d: {  	v21 =	vmov s24;
	v19 =	vld.idx.msk [tilespmem:v23+s2+$0x0], $0xffff  }
0x5e: {  	v22 =	vshll.u32 v21, $0x3;
	v18, v20, _ =	vpop (xrf1)  }
0x5f: {  	v13 =	vor.u32 v0, v15;
	(xrf1) =	vsort.dscd.msk.f32 $0xffff, v16, v17;
	v16, v17, _ =	vpop (xrf1)  }
0x60: {  	(xrf1) =	vsort.dscd.msk.f32 $0xffff, v14, v7;
	v14 =	vperm.xlane v17, v8;
	v17 =	vand.u32 $0x7F, v21;
	v21 =	vand.u32 $0x400, v22  }
0x61: {  	v16 =	vperm.xlane v16, v8  }
0x62: {  	(xrf1) =	vsort.dscd.msk.f32 $0xffff, v19, v5;
	v19, v22, _ =	vpop (xrf1)  }
0x63: {  	v15 =	vor.u32 v2, v15;
	v19 =	vperm.xlane v19, v8;
	vm1 =	vge.f32 v18, v16  }
0x64: {  	s25 =	simm.s32 $0x6;
	v17 =	vor.u32 v17, v21;
	v22 =	vperm.xlane v22, v8;
	v14 =	vsel vm1, v20, v14;
	v20, v21, _ =	vpop (xrf1)  }
0x65: {  	v23 =	vmov s25;
	v16 =	vsel vm1, v18, v16;
	v18 =	vld.idx.msk [tilespmem:v13+s2+$0x0], $0xffff;
	vm1 =	vge.f32 v20, v19  }
0x66: {  	(xrf1) =	vsort.dscd.msk.f32 $0xffff, v16, v14;
	v19 =	vsel vm1, v20, v19;
	v20 =	vsel vm1, v21, v22;
	v22 =	vshll.u32 v23, $0x3  }
0x67: {  	(xrf1) =	vsort.dscd.msk.f32 $0xffff, v19, v20;
	v20 =	vand.u32 $0x400, v22  }
0x68: {  	v14 =	vor.u32 v0, v17;
	v16 =	vor.u32 v2, v17;
	v24, v25, _ =	vpop (xrf1);
	v21 =	vor.u32 v4, v17  }
0x69: {  	v15 =	vld.idx.msk [tilespmem:v15+s2+$0x0], $0xffff;
	v17 =	vor.u32 v6, v17;
	v19 =	vand.u32 $0x7E, v23;
	v22 =	vperm.xlane v24, v8  }
0x6a: {  	v19 =	vor.u32 v19, v20;
	(xrf1) =	vsort.dscd.msk.f32 $0xffff, v18, v1;
	v18 =	vperm.xlane v25, v8;
	v20, v23, _ =	vpop (xrf1)  }
0x6b: {  	vm1 =	vge.f32 v20, v22  }
0x6c: {  	v18 =	vsel vm1, v23, v18  }
0x6d: {  	v24 =	vor.u32 v2, v19;
	v16 =	vld.idx.msk [tilespmem:v16+s2+$0x0], $0xffff  }
0x6e: {  	s26 =	simm.s32 $0x5;
	(xrf1) =	vsort.dscd.msk.f32 $0xffff, v15, v3;
	v26 =	vld.idx.msk [tilespmem:v14+s2+$0x0], $0xffff;
	v15 =	vsel vm1, v20, v22  }
0x6f: {  	v25 =	vor.u32 v6, v19;
	v17 =	vld.idx.msk [tilespmem:v17+s2+$0x0], $0xffff;
	v22 =	vmov s26;
	(xrf1) =	vsort.dscd.msk.f32 $0xffff, v15, v18;
	v18, v20, _ =	vpop (xrf1)  }
0x70: {  	v21 =	vld.idx.msk [tilespmem:v21+s2+$0x0], $0xffff;
	v23 =	vshll.u32 v22, $0x3;
	v15 =	vor.u32 v0, v19;
	(xrf0) =	vmax.scan.msk.f32 $0xffff, v18  }
0x71: {  	v22 =	vand.u32 $0x7D, v22;
	v19 =	vor.u32 v4, v19;
	v23 =	vand.u32 $0x400, v23  }
0x72: {  	v22 =	vor.u32 v22, v23;
	v23 =	vld.idx.msk [tilespmem:v24+s2+$0x0], $0xffff;
	(xrf1) =	vsort.dscd.msk.f32 $0xffff, v16, v3  }
0x73: {  	v16, v24, _ =	vpop (xrf1);
	(xrf1) =	vsort.dscd.msk.f32 $0xffff, v26, v1  }
0x74: {  	v25 =	vld.idx.msk [tilespmem:v25+s2+$0x0], $0xffff;
	v27 =	vor.u32 v6, v22;
	v26, v28, _ =	vpop (xrf1);
	(xrf1) =	vsort.dscd.msk.f32 $0xffff, v17, v7  }
0x75: {  	v29 =	vor.u32 v2, v22;
	v30 =	vld.idx.msk [tilespmem:v15+s2+$0x0], $0xffff;
	(xrf1) =	vsort.dscd.msk.f32 $0xffff, v21, v5;
	v21, v17, _ =	vpop (xrf1)  }
0x76: {  	v32 =	vld.idx.msk [tilespmem:v19+s2+$0x0], $0xffff;
	(xrf0) =	vmax.scan.msk.f32 $0xffff, v21;
	v19, _, _ =	vpop (xrf0)  }
0x77: {  	v31 =	vor.u32 v4, v22;
	(xrf1) =	vsort.dscd.msk.f32 $0xffff, v23, v3;
	v23 =	vbroadcast v19, $0xF  }
0x78: {  	v33 =	vperm.xlane v16, v8  }
0x79: {  	v16 =	vor.u32 v0, v22;
	v22 =	vld.idx.msk [tilespmem:v27+s2+$0x0], $0xffff;
	(xrf1) =	vsort.dscd.msk.f32 $0xffff, v25, v7;
	v18 =	vsub.f32 v18, v23  }
0x7a: {  	v24 =	vperm.xlane v24, v8;
	v27 =	vld.idx.msk [tilespmem:v29+s2+$0x0], $0xffff;
	(xrf1) =	vsort.dscd.msk.f32 $0xffff, v30, v1  }
0x7b: {  	vm1 =	vge.f32 v26, v33;
	v25, v19, _ =	vpop (xrf1);
	(xrf1) =	vsort.dscd.msk.f32 $0xffff, v32, v5  }
0x7c: {  	v24 =	vsel vm1, v28, v24;
	(xrf0) =	vmax.scan.msk.f32 $0xffff, v25;
	v29, v34, _ =	vpop (xrf1);
	v23 =	vsel vm1, v26, v33;
	v26 =	vld.idx.msk [tilespmem:v31+s2+$0x0], $0xffff  }
0x7d: {  	(xrf1) =	vsort.dscd.msk.f32 $0xffff, v23, v24;
	v23 =	vmul.f32 $1.442695020e+00, v18;
	v18, _, _ =	vpop (xrf0)  }
0x7e: {  	v28, v30, _ =	vpop (xrf1);
	(xrf1) =	vsort.dscd.msk.f32 $0xffff, v22, v7;
	v22 =	vbroadcast v18, $0xF  }
0x7f: {  	v24 =	vld.idx.msk [tilespmem:v16+s2+$0x0], $0xffff;
	(xrf1) =	vsort.dscd.msk.f32 $0xffff, v27, v3;
	v31, v18, _ =	vpop (xrf1)  }
0x80: {  	v28 =	vperm.xlane v28, v8;
	(xrf0) =	vmax.scan.msk.f32 $0xffff, v31  }
0x81: {  	(erf) = vpow2.f32 v23;
	v23 =	vperm.xlane v30, v8;
	(xrf1) =	vsort.dscd.msk.f32 $0xffff, v26, v5;
	v26, v27, _ =	vpop (xrf1)  }
0x82: {  	vm1 =	vge.f32 v29, v28;
	v21 =	vsub.f32 v21, v22;
	v22, _, _ =	vpop (xrf0)  }
0x83: {  	v28 =	vsel vm1, v29, v28;
	v23 =	vsel vm1, v34, v23;
	v29, v30, _ =	vpop (xrf1);
	v22 =	vbroadcast v22, $0xF  }
0x84: {  	(xrf1) =	vsort.dscd.msk.f32 $0xffff, v24, v1;
	v24, v46, _ =	vpop (xrf1)  }
0x85: {  	v22 =	vsub.f32 v25, v22;
	v25, v47, _ =	vpop (xrf1)  }
0x86: {  	s28 =	simm.s32 $0x8;
	v27 =	vperm.xlane v27, v8;
	v26 =	vperm.xlane v26, v8;
	(xrf1) =	vsort.dscd.msk.f32 $0xffff, v28, v23;
	v23, _, _ =	vpop (xrf0)  }
0x87: {  	v45 =	vmov s28;
	v21 =	vmul.f32 $1.442695020e+00, v21;
	v23 =	vbroadcast v23, $0xF  }
0x88: {  	v24 =	vperm.xlane v24, v8;
	v33 =	vperm.xlane v46, v8;
	vm1 =	vge.f32 v29, v26  }
0x89: {  	(erf) = vpow2.f32 v21;
	v28, v35, _ =	vpop (xrf1);
	v23 =	vsub.f32 v31, v23;
	v31 =	vshll.u32 v45, $0x3  }
0x8a: {  	v26 =	vsel vm1, v29, v26;
	v27 =	vsel vm1, v30, v27;
	v22 =	vmul.f32 $1.442695020e+00, v22;
	v29, v30, _ =	vpop (xrf1)  }
0x8b: {  	v28 =	vperm.xlane v28, v8;
	v29 =	vperm.xlane v29, v8  }
0x8c: {  	vm2 =	vge.f32 v25, v24;
	(xrf1) =	vsort.dscd.msk.f32 $0xffff, v26, v27;
	v49, v48, _ =	vpop (xrf1);
	v27 =	vperm.xlane v30, v8;
	(erf) = vpow2.f32 v22  }
0x8d: {  	v22 =	vsel vm2, v25, v24;
	v24 =	vsel vm2, v47, v33;
	v26 =	vand.u32 $0x400, v31;
	v30, v31, _ =	vpop (xrf1)  }
0x8e: {  	(xrf1) =	vsort.dscd.msk.f32 $0xffff, v22, v24;
	v22 =	vmul.f32 $1.442695020e+00, v23;
	vm1 =	vge.f32 v30, v29  }
0x8f: {  	v29 =	vsel vm1, v30, v29;
	v27 =	vsel vm1, v31, v27;
	vm1 =	vge.f32 v49, v28  }
0x90: {  	v25 =	vpop (erf);
	(xrf1) =	vsort.dscd.msk.f32 $0xffff, v29, v27;
	v27 =	vsel vm1, v49, v28  }
0x91: {  	v21 =	vand.u32 $0x7C, v45;
	v24 =	vperm.xlane v35, v8;
	v23 =	vnsel vm0, $0x0, v25;
	v25, v50, _ =	vpop (xrf1)  }
0x92: {  	v21 =	vor.u32 v21, v26;
	(erf) = vpow2.f32 v22;
	v22, v26, _ =	vpop (xrf1)  }
0x93: {  	(xrf2) =	vadd.scan.msk.f32 $0xffff, v23;
	v24 =	vsel vm1, v48, v24;
	v22 =	vperm.xlane v22, v8;
	v28, v29, _ =	vpop (xrf1)  }
0x94: {  	(xrf1) =	vsort.dscd.msk.f32 $0xffff, v27, v24;
	v24 =	vperm.xlane v26, v8;
	v26, v27, _ =	vpop (xrf1);
	v29 =	vperm.xlane v29, v8  }
0x95: {  	v51 =	vor.u32 v4, v21;
	v31 =	vpop (erf);
	v28 =	vperm.xlane v28, v8;
	vm1 =	vge.f32 v26, v22  }
0x96: {  	v30 =	vor.u32 v6, v21;
	v22 =	vsel vm1, v26, v22;
	v26 =	vsel vm1, v27, v24;
	v27, v52, _ =	vpop (xrf1)  }
0x97: {  	v25 =	vperm.xlane v25, v8;
	v24 =	vnsel vm0, $0x0, v31;
	v31 =	vpop (erf);
	vm1 =	vge.f32 v27, v28  }
0x98: {  	(xrf1) =	vsort.dscd.msk.f32 $0xffff, v22, v26;
	v27 =	vsel vm1, v27, v28;
	v28 =	vsel vm1, v52, v29;
	v29, v33, _ =	vpop (xrf1)  }
0x99: {  	s29 =	simm.s32 $0xB;
	(xrf2) =	vadd.scan.msk.f32 $0xffff, v24;
	v26 =	vnsel vm0, $0x0, v31;
	vm1 =	vge.f32 v29, v25  }
0x9a: {  	v22 =	vperm.xlane v50, v8;
	(xrf2) =	vadd.scan.msk.f32 $0xffff, v26;
	v25 =	vsel vm1, v29, v25;
	v29 =	vmov s29  }
0x9b: {  	(xrf1) =	vsort.dscd.msk.f32 $0xffff, v27, v28;
	v28 =	vld.idx.msk [tilespmem:v30+s2+$0x0], $0xffff;
	v31, v53, _ =	vpop (xrf1);
	v30 =	vshll.u32 v29, $0x3  }
0x9c: {  	v32 =	vld.idx.msk [tilespmem:v51+s2+$0x0], $0xffff;
	v22 =	vsel vm1, v33, v22;
	v27 =	vpop (erf)  }
0x9d: {  	v54 =	vor.u32 v2, v21;
	(xrf1) =	vsort.dscd.msk.f32 $0xffff, v25, v22;
	v27 =	vnsel vm0, $0x0, v27;
	v25, _, _ =	vpop (xrf2)  }
0x9e: {  	v22 =	vor.u32 v0, v21;
	v21 =	vand.u32 $0x7F, v29;
	v29 =	vand.u32 $0x400, v30;
	(xrf2) =	vadd.scan.msk.f32 $0xffff, v27;
	v30, v55, _ =	vpop (xrf1)  }
0x9f: {  	v29 =	vor.u32 v21, v29;
	v30 =	vperm.xlane v30, v8  }
0xa0: {  	s30 =	simm.s32 $0xA;
	v25 =	vbroadcast v25, $0xF;
	v21 =	vor.u32 v0, v29;
	(xrf1) =	vsort.dscd.msk.f32 $0xffff, v28, v7  }
0xa1: {  	v58 =	vmov s30;
	v35 =	vperm.xlane v55, v8;
	(xrf1) =	vsort.dscd.msk.f32 $0xffff, v32, v5;
	vm1 =	vge.f32 v31, v30  }
0xa2: {  	v40 =	vor.u32 v4, v29;
	v28, v36, _ =	vpop (xrf1);
	(erf) = vrcp.f32 v25;
	v30 =	vsel vm1, v31, v30  }
0xa3: {  	v39 =	vor.u32 v6, v29;
	v37 =	vld.idx.msk [tilespmem:v22+s2+$0x0], $0xffff;
	v28 =	vperm.xlane v28, v8;
	v56, v57, _ =	vpop (xrf1);
	v31 =	vsel vm1, v53, v35  }
0xa4: {  	v25 =	vor.u32 v2, v29;
	v36 =	vperm.xlane v36, v8;
	v29 =	vshll.u32 v58, $0x3;
	v38, _, _ =	vpop (xrf2);
	(xrf1) =	vsort.dscd.msk.f32 $0xffff, v30, v31  }
0xa5: {  	v34 =	vld.idx.msk [tilespmem:v54+s2+$0x0], $0xffff;
	v29 =	vand.u32 $0x400, v29;
	vm1 =	vge.f32 v56, v28;
	v31 =	vbroadcast v38, $0xF;
	v30, _, _ =	vpop (xrf2)  }
0xa6: {  	v28 =	vsel vm1, v56, v28;
	v59 =	vsel vm1, v57, v36;
	v62, v61, _ =	vpop (xrf1);
	v30 =	vbroadcast v30, $0xF  }
0xa7: {  	v60 =	vand.u32 $0x7E, v58;
	(xrf1) =	vsort.dscd.msk.f32 $0xffff, v28, v59;
	(erf) = vrcp.f32 v31;
	v28 =	vperm.xlane v62, v8  }
0xa8: {  	v31 =	vor.u32 v60, v29;
	(xrf1) =	vsort.dscd.msk.f32 $0xffff, v37, v1;
	v29, _, _ =	vpop (xrf2);
	(erf) = vrcp.f32 v30  }
0xa9: {  	s31 =	simm.s32 $0x9;
	v35 =	vor.u32 v2, v31;
	v63, v41, _ =	vpop (xrf1);
	v30 =	vld.idx.msk [tilespmem:v25+s2+$0x0], $0xffff;
	v25 =	vperm.xlane v61, v8;
	v42 =	vbroadcast v29, $0xF  }
0xaa: {  	v32 =	vld.idx.msk [tilespmem:v21+s2+$0x0], $0xffff;
	v38 =	vmov s31;
	v36 =	vor.u32 v6, v31;
	(xrf1) =	vsort.dscd.msk.f32 $0xffff, v34, v3;
	vm1 =	vge.f32 v63, v28  }
0xab: {  	v33 =	vld.idx.msk [tilespmem:v39+s2+$0x0], $0xffff;
	v29 =	vpop (erf);
	v43 =	vsel vm1, v63, v28;
	v41 =	vsel vm1, v41, v25;
	(erf) = vrcp.f32 v42  }
0xac: {  	s13 =	simm.s32 $0xC;
	v39 =	vshll.u32 v38, $0x3;
	v37 =	vld.idx.msk [tilespmem:v40+s2+$0x0], $0xffff;
	v25 =	vor.u32 v0, v31;
	v34, v28, _ =	vpop (xrf1);
	(xrf1) =	vsort.dscd.msk.f32 $0xffff, v43, v41  }
.LBB2_2:
0xad: {  	p0 =	slt.u32 s13, $0xFC;
	v38 =	vand.u32 $0x7D, v38;
	v44 =	vand.u32 $0x400, v39;
	v31 =	vor.u32 v4, v31;
	(xrf0) =	vmax.scan.msk.f32 $0xffff, v34  }
0xae: {  	v38 =	vor.u32 v38, v44;
	v35 =	vld.idx.msk [tilespmem:v35+s2+$0x0], $0xffff;
	v39, v40, _ =	vpop (xrf1);
	v44 =	vmul.f32 v29, v23  }
0xaf: {  	v29 =	vperm.xlane v40, v8;
	v40 =	vor.u32 v6, v38;
	v36 =	vld.idx.msk [tilespmem:v36+s2+$0x0], $0xffff;
	v41, v42, _ =	vpop (xrf1);
	(xrf1) =	vsort.dscd.msk.f32 $0xffff, v30, v3  }
0xb0: {  	v30 =	vperm.xlane v39, v8;
	(xrf1) =	vsort.dscd.msk.f32 $0xffff, v32, v1;
	[tilespmem:v10+s10+$0x0] =	vst.idx.msk $0xff, v44;
	v23 =	vpop (erf)  }
0xb1: {  	v32 =	vor.u32 v2, v38;
	v39 =	vld.idx.msk [tilespmem:v25+s2+$0x0], $0xffff;
	(xrf1) =	vsort.dscd.msk.f32 $0xffff, v33, v7;
	v23 =	vmul.f32 v23, v24;
	v24 =	vpop (erf)  }
0xb2: {  	v33 =	vor.u32 v4, v38;
	v31 =	vld.idx.msk [tilespmem:v31+s2+$0x0], $0xffff;
	(xrf1) =	vsort.dscd.msk.f32 $0xffff, v37, v5;
	v37, v43, _ =	vpop (xrf1);
	[tilespmem:v10+s11+$0x0] =	vst.idx.msk $0xff, v20  }
0xb3: {  	vm1 =	vge.f32 v41, v30;
	v20 =	vmul.f32 v24, v26;
	v10, _, _ =	vpop (xrf0);
	(xrf0) =	vmax.scan.msk.f32 $0xffff, v37;
	[tilespmem:v11+s10+$0x0] =	vst.idx.msk $0xff, v23  }
0xb4: {  	v23 =	vor.u32 v0, v38;
	v24 =	vld.idx.msk [tilespmem:v40+s2+$0x0], $0xffff;
	(xrf1) =	vsort.dscd.msk.f32 $0xffff, v35, v3;
	[tilespmem:v11+s11+$0x0] =	vst.idx.msk $0xff, v17;
	v11 =	vpop (erf)  }
0xb5: {  	v10 =	vbroadcast v10, $0xF;
	(xrf1) =	vsort.dscd.msk.f32 $0xffff, v36, v7;
	v26, v35, _ =	vpop (xrf1);
	v11 =	vmul.f32 v11, v27;
	[tilespmem:v12+s10+$0x0] =	vst.idx.msk $0xff, v20  }
0xb6: {  	v17 =	vmov v43;
	v20 =	vsel vm1, v41, v30;
	v27 =	vld.idx.msk [tilespmem:v32+s2+$0x0], $0xffff;
	v30, v32, _ =	vpop (xrf1);
	(xrf0) =	vmax.scan.msk.f32 $0xffff, v26;
	[tilespmem:v12+s11+$0x0] =	vst.idx.msk $0xff, v19  }
0xb7: {  	v10 =	vsub.f32 v34, v10;
	v12 =	vld.idx.msk [tilespmem:v33+s2+$0x0], $0xffff;
	(xrf1) =	vsort.dscd.msk.f32 $0xffff, v39, v1;
	[tilespmem:v9+s10+$0x0] =	vst.idx.msk $0xff, v11  }
0xb8: {  	v33 =	vsel vm1, v42, v29;
	v19, v29, _ =	vpop (xrf1);
	(xrf1) =	vsort.dscd.msk.f32 $0xffff, v31, v5;
	[tilespmem:v9+s11+$0x0] =	vst.idx.msk $0xff, v18;
	v9 =	vmov v16  }
0xb9: {  	v34 =	vmov s13;
	v38 =	vmul.f32 $1.442695020e+00, v10;
	v16 =	vmov v23;
	v31 =	vld.idx.msk [tilespmem:v23+s2+$0x0], $0xffff;
	(xrf1) =	vsort.dscd.msk.f32 $0xffff, v20, v33;
	v11, _, _ =	vpop (xrf0)  }
0xba: {  	v36 =	vand.u32 $0x7C, v34;
	v23 =	vshll.u32 v34, $0x3;
	(xrf1) =	vsort.dscd.msk.f32 $0xffff, v24, v7;
	v11 =	vbroadcast v11, $0xF;
	v24, v18, _ =	vpop (xrf1)  }
0xbb: {  	v39 =	vperm.xlane v19, v8;
	v19 =	vmovc v35;
	v23 =	vand.u32 $0x400, v23;
	(erf) = vpow2.f32 v38;
	(xrf0) =	vmax.scan.msk.f32 $0xffff, v24  }
0xbc: {  	v10 =	vmov v13;
	v34 =	vor.u32 v36, v23;
	(xrf1) =	vsort.dscd.msk.f32 $0xffff, v27, v3;
	v11 =	vsub.f32 v37, v11;
	v20, _, _ =	vpop (xrf0)  }
0xbd: {  	v23 =	vperm.xlane v29, v8;
	vm1 =	vge.f32 v30, v39;
	(xrf1) =	vsort.dscd.msk.f32 $0xffff, v12, v5;
	v12, v13, _ =	vpop (xrf1);
	v20 =	vbroadcast v20, $0xF  }
0xbe: {  	v27 =	vsel vm1, v30, v39;
	v29 =	vperm.xlane v13, v8;
	v30, v33, _ =	vpop (xrf1);
	v11 =	vmul.f32 $1.442695020e+00, v11  }
0xbf: {  	v12 =	vperm.xlane v12, v8;
	v13 =	vmov v22;
	(xrf1) =	vsort.dscd.msk.f32 $0xffff, v31, v1;
	v36, v35, _ =	vpop (xrf1);
	v20 =	vsub.f32 v26, v20  }
0xc0: {  	v37 =	vsel vm1, v32, v23;
	v23 =	vperm.xlane v36, v8;
	v26, v31, _ =	vpop (xrf1);
	(erf) = vpow2.f32 v11  }
0xc1: {  	v32 =	vor.u32 v6, v34;
	v11 =	vperm.xlane v35, v8;
	(xrf1) =	vsort.dscd.msk.f32 $0xffff, v27, v37;
	v20 =	vmul.f32 $1.442695020e+00, v20;
	v22, _, _ =	vpop (xrf0)  }
0xc2: {  	vm1 =	vge.f32 v30, v12;
	vm2 =	vge.f32 v26, v23;
	v27, v35, _ =	vpop (xrf1);
	v22 =	vbroadcast v22, $0xF  }
0xc3: {  	v12 =	vsel vm1, v30, v12;
	v36 =	vsel vm1, v33, v29;
	v30, v33, _ =	vpop (xrf1);
	(erf) = vpow2.f32 v20  }
0xc4: {  	v20 =	vsel vm2, v26, v23;
	v23 =	vsel vm2, v31, v11;
	v22 =	vsub.f32 v24, v22;
	v24 =	vpop (erf)  }
0xc5: {  	v26 =	vperm.xlane v27, v8;
	v37 =	vperm.xlane v30, v8;
	v11 =	vmov v14;
	v30, v31, _ =	vpop (xrf1);
	(xrf1) =	vsort.dscd.msk.f32 $0xffff, v12, v36  }
0xc6: {  	v12 =	vperm.xlane v33, v8;
	v14, v29, _ =	vpop (xrf1);
	(xrf1) =	vsort.dscd.msk.f32 $0xffff, v20, v23;
	v23 =	vnsel vm0, $0x0, v24;
	v20 =	vmul.f32 $1.442695020e+00, v22  }
0xc7: {  	v22 =	vperm.xlane v35, v8;
	vm1 =	vge.f32 v30, v26;
	vm2 =	vge.f32 v14, v37;
	v33, v35, _ =	vpop (xrf1)  }
0xc8: {  	v36 =	vsel vm2, v14, v37;
	v38 =	vsel vm2, v29, v12;
	v24, v27, _ =	vpop (xrf1);
	(xrf2) =	vadd.scan.msk.f32 $0xffff, v23;
	(erf) = vpow2.f32 v20  }
0xc9: {  	v37 =	vsel vm1, v30, v26;
	v22 =	vsel vm1, v31, v22;
	v14 =	vmov v21;
	(xrf1) =	vsort.dscd.msk.f32 $0xffff, v36, v38;
	v26 =	vpop (erf)  }
0xca: {  	v21 =	vperm.xlane v24, v8;
	v12 =	vmov v15;
	v29, v30, _ =	vpop (xrf1);
	(xrf1) =	vsort.dscd.msk.f32 $0xffff, v37, v22;
	v20 =	vmov v28  }
0xcb: {  	v27 =	vperm.xlane v27, v8;
	v22 =	vor.u32 v4, v34;
	v24 =	vnsel vm0, $0x0, v26;
	v28, v31, _ =	vpop (xrf1)  }
0xcc: {  	v15 =	vmov v25;
	v37 =	vperm.xlane v29, v8;
	vm1 =	vge.f32 v28, v21;
	v26 =	vpop (erf);
	(xrf2) =	vadd.scan.msk.f32 $0xffff, v24  }
0xcd: {  	v36 =	vperm.xlane v30, v8;
	v25 =	vld.idx.msk [tilespmem:v32+s2+$0x0], $0xffff;
	v21 =	vsel vm1, v28, v21;
	v27 =	vsel vm1, v31, v27;
	v28, v31, _ =	vpop (xrf1)  }
0xce: {  	v32 =	vperm.xlane v33, v8;
	v26 =	vnsel vm0, $0x0, v26;
	vm1 =	vge.f32 v28, v37;
	(xrf1) =	vsort.dscd.msk.f32 $0xffff, v21, v27  }
0xcf: {  	v35 =	vperm.xlane v35, v8;
	v27 =	vsel vm1, v28, v37;
	v33 =	vsel vm1, v31, v36;
	v29, v30, _ =	vpop (xrf1);
	(xrf2) =	vadd.scan.msk.f32 $0xffff, v26  }
0xd0: {  	v31 =	vld.idx.msk [tilespmem:v22+s2+$0x0], $0xffff;
	vm1 =	vge.f32 v29, v32;
	(xrf1) =	vsort.dscd.msk.f32 $0xffff, v27, v33  }
0xd1: {  	s14 =	sadd.s32 $0x3, s13;
	v27 =	vsel vm1, v29, v32;
	v30 =	vsel vm1, v30, v35;
	v28 =	vpop (erf)  }
0xd2: {  	v22 =	vor.u32 v0, v34;
	v29 =	vmov s14;
	(xrf1) =	vsort.dscd.msk.f32 $0xffff, v27, v30;
	v27 =	vnsel vm0, $0x0, v28;
	v21, _, _ =	vpop (xrf2)  }
0xd3: {  	v28 =	vor.u32 v2, v34;
	v30 =	vshll.u32 v29, $0x3;
	v32, v33, _ =	vpop (xrf1);
	(xrf2) =	vadd.scan.msk.f32 $0xffff, v27  }
0xd4: {  	v29 =	vand.u32 $0x7F, v29;
	v30 =	vand.u32 $0x400, v30;
	v36 =	vbroadcast v21, $0xF;
	v34, v35, _ =	vpop (xrf1)  }
0xd5: {  	v29 =	vor.u32 v29, v30;
	(xrf1) =	vsort.dscd.msk.f32 $0xffff, v25, v7;
	v25 =	vperm.xlane v34, v8  }
0xd6: {  	v21 =	vor.u32 v0, v29;
	v30 =	vperm.xlane v35, v8;
	(xrf1) =	vsort.dscd.msk.f32 $0xffff, v31, v5;
	(erf) = vrcp.f32 v36;
	v31, _, _ =	vpop (xrf2)  }
0xd7: {  	v37 =	vor.u32 v4, v29;
	v36 =	vor.u32 v2, v29;
	v34 =	vld.idx.msk [tilespmem:v22+s2+$0x0], $0xffff;
	vm1 =	vge.f32 v32, v25;
	v35, v38, _ =	vpop (xrf1)  }
0xd8: {  	s14 =	sadd.s32 $0x2, s13;
	v35 =	vperm.xlane v35, v8;
	v41 =	vsel vm1, v32, v25;
	v30 =	vsel vm1, v33, v30;
	v32, v33, _ =	vpop (xrf1)  }
0xd9: {  	v39 =	vmov s14;
	v40 =	vor.u32 v6, v29;
	v29 =	vperm.xlane v38, v8;
	v28 =	vld.idx.msk [tilespmem:v28+s2+$0x0], $0xffff;
	(xrf1) =	vsort.dscd.msk.f32 $0xffff, v41, v30;
	v25, _, _ =	vpop (xrf2)  }
0xda: {  	v31 =	vbroadcast v31, $0xF;
	v30 =	vshll.u32 v39, $0x3;
	vm1 =	vge.f32 v32, v35  }
0xdb: {  	v25 =	vbroadcast v25, $0xF;
	v32 =	vsel vm1, v32, v35;
	v42 =	vsel vm1, v33, v29  }
0xdc: {  	v30 =	vand.u32 $0x400, v30;
	v33 =	vand.u32 $0x7E, v39;
	v35, v38, _ =	vpop (xrf1);
	(xrf1) =	vsort.dscd.msk.f32 $0xffff, v32, v42;
	(erf) = vrcp.f32 v31  }
.Ltmp0:
0xdd: {  	v31 =	vor.u32 v33, v30;
	(xrf1) =	vsort.dscd.msk.f32 $0xffff, v34, v1;
	v43 =	vperm.xlane v35, v8;
	v29, _, _ =	vpop (xrf2);
	(erf) = vrcp.f32 v25;
	(pc) =	sbr.rel @p0 .LBB2_2-.Ltmp0, $4  }
0xde: {  	s14 =	sadd.s32 $0x1, s13;
	v35 =	vor.u32 v2, v31;
	v25 =	vperm.xlane v38, v8;
	v30 =	vld.idx.msk [tilespmem:v36+s2+$0x0], $0xffff;
	v39, v41, _ =	vpop (xrf1);
	v42 =	vbroadcast v29, $0xF  }
0xdf: {  	v38 =	vmov s14;
	v36 =	vor.u32 v6, v31;
	v32 =	vld.idx.msk [tilespmem:v21+s2+$0x0], $0xffff;
	(xrf1) =	vsort.dscd.msk.f32 $0xffff, v28, v3;
	vm1 =	vge.f32 v39, v43;
	v29 =	vpop (erf)  }
0xe0: {  	v33 =	vld.idx.msk [tilespmem:v40+s2+$0x0], $0xffff;
	v40 =	vsel vm1, v39, v43;
	v41 =	vsel vm1, v41, v25;
	v34, v28, _ =	vpop (xrf1);
	(erf) = vrcp.f32 v42  }
0xe1: {  	s13 =	sadd.s32 $0x4, s13;
	v39 =	vshll.u32 v38, $0x3;
	v25 =	vor.u32 v0, v31;
	v37 =	vld.idx.msk [tilespmem:v37+s2+$0x0], $0xffff;
	(xrf1) =	vsort.dscd.msk.f32 $0xffff, v40, v41  }
0xe2: {  	_ =	sdelay $0x1  }
0xe3: {  	v38 =	vand.u32 $0x7D, v38;
	v39 =	vand.u32 $0x400, v39;
	v31 =	vor.u32 v4, v31  }
0xe4: {  	v38 =	vor.u32 v38, v39;
	(xrf1) =	vsort.dscd.msk.f32 $0xffff, v30, v3  }
0xe5: {  	v35 =	vld.idx.msk [tilespmem:v35+s2+$0x0], $0xffff;
	v39 =	vor.u32 v6, v38;
	(xrf1) =	vsort.dscd.msk.f32 $0xffff, v32, v1  }
0xe6: {  	v36 =	vld.idx.msk [tilespmem:v36+s2+$0x0], $0xffff;
	v40 =	vor.u32 v2, v38;
	(xrf1) =	vsort.dscd.msk.f32 $0xffff, v33, v7  }
0xe7: {  	v63 =	vld.idx.msk [tilespmem:v25+s2+$0x0], $0xffff;
	v45, v42, _ =	vpop (xrf1);
	v41 =	vor.u32 v4, v38  }
0xe8: {  	v30 =	vor.u32 v0, v38;
	v33 =	vperm.xlane v45, v8;
	(xrf1) =	vsort.dscd.msk.f32 $0xffff, v37, v5;
	v31 =	vld.idx.msk [tilespmem:v31+s2+$0x0], $0xffff  }
0xe9: {  	(xrf0) =	vmax.scan.msk.f32 $0xffff, v34;
	v47 =	vperm.xlane v42, v8;
	v48, v49, _ =	vpop (xrf1)  }
0xea: {  	(xrf1) =	vsort.dscd.msk.f32 $0xffff, v35, v3;
	vm1 =	vge.f32 v48, v33;
	v46 =	vld.idx.msk [tilespmem:v39+s2+$0x0], $0xffff  }
0xeb: {  	(xrf1) =	vsort.dscd.msk.f32 $0xffff, v36, v7;
	v35 =	vsel vm1, v49, v47;
	v50 =	vld.idx.msk [tilespmem:v40+s2+$0x0], $0xffff  }
0xec: {  	v51 =	vld.idx.msk [tilespmem:v41+s2+$0x0], $0xffff;
	(xrf1) =	vsort.dscd.msk.f32 $0xffff, v63, v1  }
0xed: {  	v38, v32, _ =	vpop (xrf1);
	v33 =	vsel vm1, v48, v33;
	v52 =	vld.idx.msk [tilespmem:v30+s2+$0x0], $0xffff;
	(xrf1) =	vsort.dscd.msk.f32 $0xffff, v31, v5  }
0xee: {  	(xrf1) =	vsort.dscd.msk.f32 $0xffff, v33, v35;
	v35, v31, _ =	vpop (xrf1)  }
0xef: {  	(xrf1) =	vsort.dscd.msk.f32 $0xffff, v46, v7;
	v54, v53, _ =	vpop (xrf1)  }
0xf0: {  	(xrf1) =	vsort.dscd.msk.f32 $0xffff, v50, v3;
	v56, v55, _ =	vpop (xrf1)  }
0xf1: {  	(xrf1) =	vsort.dscd.msk.f32 $0xffff, v51, v5;
	v40, v33, _ =	vpop (xrf1)  }
0xf2: {  	v43, v44, _ =	vpop (xrf1);
	(xrf1) =	vsort.dscd.msk.f32 $0xffff, v52, v1  }
0xf3: {  	v36 =	vperm.xlane v56, v8;
	v45, v46, _ =	vpop (xrf1)  }
0xf4: {  	v42 =	vperm.xlane v55, v8;
	v43 =	vperm.xlane v43, v8;
	v47, v48, _ =	vpop (xrf1)  }
0xf5: {  	vm1 =	vge.f32 v54, v36;
	v57 =	vperm.xlane v44, v8;
	v58 =	vperm.xlane v47, v8  }
0xf6: {  	v36 =	vsel vm1, v54, v36;
	v41 =	vsel vm1, v53, v42;
	v59, v49, _ =	vpop (xrf1);
	vm1 =	vge.f32 v45, v43  }
0xf7: {  	v39, _, _ =	vpop (xrf0);
	v60 =	vperm.xlane v48, v8;
	v37 =	vsel vm1, v46, v57;
	vm2 =	vge.f32 v59, v58  }
0xf8: {  	v61, v50, _ =	vpop (xrf1);
	v44 =	vsel vm2, v59, v58  }
0xf9: {  	v39 =	vbroadcast v39, $0xF;
	(xrf1) =	vsort.dscd.msk.f32 $0xffff, v36, v41;
	v63, v51, _ =	vpop (xrf1);
	v42 =	vsel vm2, v49, v60  }
0xfa: {  	(xrf0) =	vmax.scan.msk.f32 $0xffff, v38;
	v62 =	vsel vm1, v45, v43;
	v54 =	vperm.xlane v61, v8;
	v55 =	vperm.xlane v50, v8;
	v52, v53, _ =	vpop (xrf1)  }
0xfb: {  	(xrf1) =	vsort.dscd.msk.f32 $0xffff, v62, v37;
	v41 =	vperm.xlane v63, v8;
	v43 =	vperm.xlane v51, v8;
	v36, v37, _ =	vpop (xrf1)  }
0xfc: {  	v51 =	vsub.f32 v34, v39;
	(xrf1) =	vsort.dscd.msk.f32 $0xffff, v44, v42;
	vm2 =	vge.f32 v52, v54;
	v42, v44, _ =	vpop (xrf1)  }
0xfd: {  	(xrf0) =	vmax.scan.msk.f32 $0xffff, v35;
	v58 =	vsel vm2, v52, v54;
	v46 =	vsel vm2, v53, v55;
	vm1 =	vge.f32 v36, v41;
	v57, v56, _ =	vpop (xrf1)  }
0xfe: {  	(xrf0) =	vmax.scan.msk.f32 $0xffff, v40;
	v36 =	vsel vm1, v36, v41;
	v37 =	vsel vm1, v37, v43;
	v41 =	vperm.xlane v57, v8;
	v45, v47, _ =	vpop (xrf1)  }
0xff: {  	(xrf1) =	vsort.dscd.msk.f32 $0xffff, v36, v37;
	v59 =	vperm.xlane v56, v8;
	v61, v60, _ =	vpop (xrf1);
	v62 =	vperm.xlane v45, v8  }
0x100: {  	(xrf1) =	vsort.dscd.msk.f32 $0xffff, v58, v46;
	v63 =	vperm.xlane v47, v8;
	vm1 =	vge.f32 v61, v41;
	v49, v48, _ =	vpop (xrf1)  }
0x101: {  	v37 =	vsel vm1, v61, v41;
	v36 =	vsel vm1, v60, v59;
	vm1 =	vge.f32 v49, v62  }
0x102: {  	v50, _, _ =	vpop (xrf0);
	v34 =	vmul.f32 $1.442695020e+00, v51;
	(xrf1) =	vsort.dscd.msk.f32 $0xffff, v37, v36;
	v52 =	vsel vm1, v49, v62;
	v53 =	vsel vm1, v48, v63  }
0x103: {  	v36 =	vbroadcast v50, $0xF;
	(xrf1) =	vsort.dscd.msk.f32 $0xffff, v52, v53  }
0x104: {  	(erf) = vpow2.f32 v34  }
0x105: {  	v54, _, _ =	vpop (xrf0);
	v36 =	vsub.f32 v38, v36  }
0x106: {  	v55, _, _ =	vpop (xrf0);
	v37 =	vbroadcast v54, $0xF  }
0x107: {  	v58 =	vperm.xlane v42, v8;
	v45 =	vpop (erf);
	v36 =	vmul.f32 $1.442695020e+00, v36  }
0x108: {  	v61 =	vperm.xlane v44, v8;
	v57, v56, _ =	vpop (xrf1);
	v35 =	vsub.f32 v35, v37  }
0x109: {  	v34 =	vbroadcast v55, $0xF;
	vm1 =	vge.f32 v57, v58;
	v60, v59, _ =	vpop (xrf1);
	(erf) = vpow2.f32 v36  }
0x10a: {  	v38 =	vsel vm1, v57, v58;
	v35 =	vmul.f32 $1.442695020e+00, v35;
	v62, v63, _ =	vpop (xrf1);
	v36 =	vsel vm1, v56, v61  }
0x10b: {  	v34 =	vsub.f32 v40, v34;
	v40 =	vpop (erf);
	v37 =	vperm.xlane v62, v8;
	(xrf1) =	vsort.dscd.msk.f32 $0xffff, v38, v36  }
0x10c: {  	v41 =	vpop (erf);
	v46 =	vperm.xlane v63, v8;
	(erf) = vpow2.f32 v35  }
0x10d: {  	v53 =	vpop (erf);
	vm1 =	vge.f32 v60, v37  }
0x10e: {  	v34 =	vmul.f32 $1.442695020e+00, v34;
	v37 =	vsel vm1, v60, v37;
	v39 =	vsel vm1, v59, v46;
	v36, v38, _ =	vpop (xrf1)  }
0x10f: {  	(xrf1) =	vsort.dscd.msk.f32 $0xffff, v37, v39;
	v47 =	vperm.xlane v36, v8;
	v49, v48, _ =	vpop (xrf1)  }
0x110: {  	(erf) = vpow2.f32 v34;
	v50 =	vperm.xlane v38, v8;
	v51, v52, _ =	vpop (xrf1)  }
0x111: {  	v39 =	vnsel vm0, $0x0, v53;
	vm1 =	vge.f32 v49, v47;
	v37 =	vperm.xlane v51, v8;
	v56, v55, _ =	vpop (xrf1)  }
0x112: {  	(xrf2) =	vadd.scan.msk.f32 $0xffff, v39;
	v35 =	vsel vm1, v49, v47;
	v34 =	vsel vm1, v48, v50;
	v54 =	vperm.xlane v52, v8;
	v57 =	vpop (erf)  }
0x113: {  	(xrf1) =	vsort.dscd.msk.f32 $0xffff, v35, v34;
	v34 =	vnsel vm0, $0x0, v57;
	vm1 =	vge.f32 v56, v37  }
0x114: {  	(xrf2) =	vadd.scan.msk.f32 $0xffff, v34;
	v58 =	vsel vm1, v56, v37;
	v36 =	vsel vm1, v55, v54  }
0x115: {  	v59 =	vpop (erf);
	(xrf1) =	vsort.dscd.msk.f32 $0xffff, v58, v36  }
0x116: {  	v35 =	vnsel vm0, $0x0, v59  }
0x117: {  	(xrf2) =	vadd.scan.msk.f32 $0xffff, v35;
	_ =	sdelay $0x1  }
0x118: {  	v37, v38, _ =	vpop (xrf1)  }
0x119: {  	v60 =	vpop (erf);
	(xrf0) =	vmax.scan.msk.f32 $0xffff, v37  }
0x11a: {  	v36 =	vnsel vm0, $0x0, v60  }
0x11b: {  	(xrf2) =	vadd.scan.msk.f32 $0xffff, v36  }
0x11c: {  	v42, v43, _ =	vpop (xrf1)  }
0x11d: {  	v61, _, _ =	vpop (xrf2);
	(xrf0) =	vmax.scan.msk.f32 $0xffff, v42  }
0x11e: {  	v62, _, _ =	vpop (xrf2)  }
0x11f: {  	v55, _, _ =	vpop (xrf0)  }
0x120: {  	v57, _, _ =	vpop (xrf2)  }
0x121: {  	v63, v48, _ =	vpop (xrf1)  }
0x122: {  	v44 =	vbroadcast v61, $0xF;
	(xrf0) =	vmax.scan.msk.f32 $0xffff, v63;
	v56, v51, _ =	vpop (xrf1)  }
0x123: {  	v46 =	vbroadcast v62, $0xF;
	v49 =	vbroadcast v55, $0xF;
	v52, _, _ =	vpop (xrf0);
	(xrf0) =	vmax.scan.msk.f32 $0xffff, v56  }
0x124: {  	(erf) = vrcp.f32 v44;
	v44 =	vbroadcast v57, $0xF  }
0x125: {  	(erf) = vrcp.f32 v46;
	v58, _, _ =	vpop (xrf2);
	v37 =	vsub.f32 v37, v49  }
0x126: {  	v46 =	vbroadcast v58, $0xF;
	(erf) = vrcp.f32 v44  }
0x127: {  	v59 =	vbroadcast v52, $0xF;
	v37 =	vmul.f32 $1.442695020e+00, v37  }
0x128: {  	(erf) = vrcp.f32 v46;
	v60, _, _ =	vpop (xrf0)  }
0x129: {  	v42 =	vsub.f32 v42, v59;
	(erf) = vpow2.f32 v37;
	v61, _, _ =	vpop (xrf0)  }
0x12a: {  	v44 =	vbroadcast v60, $0xF;
	v37 =	vbroadcast v61, $0xF  }
0x12b: {  	v42 =	vmul.f32 $1.442695020e+00, v42  }
0x12c: {  	v44 =	vsub.f32 v63, v44;
	v37 =	vsub.f32 v56, v37  }
0x12d: {  	(erf) = vpow2.f32 v42  }
0x12e: {  	v62 =	vmul.f32 $1.442695020e+00, v44;
	v37 =	vmul.f32 $1.442695020e+00, v37;
	_ =	sdelay $0x1  }
0x12f: {  	v63 =	vpop (erf);
	(erf) = vpow2.f32 v62  }
0x130: {  	v44 =	vpop (erf)  }
0x131: {  	(erf) = vpow2.f32 v37;
	v37 =	vpop (erf)  }
0x132: {  	v46 =	vpop (erf)  }
0x133: {  	v54 =	vpop (erf)  }
0x134: {  	v47 =	vnsel vm0, $0x0, v54  }
0x135: {  	v55 =	vpop (erf);
	(xrf2) =	vadd.scan.msk.f32 $0xffff, v47  }
0x136: {  	v49 =	vnsel vm0, $0x0, v55  }
0x137: {  	(xrf2) =	vadd.scan.msk.f32 $0xffff, v49  }
0x138: {  	v56 =	vpop (erf)  }
0x139: {  	v50 =	vnsel vm0, $0x0, v56  }
0x13a: {  	(xrf2) =	vadd.scan.msk.f32 $0xffff, v50;
	v57 =	vpop (erf)  }
0x13b: {  	v52 =	vnsel vm0, $0x0, v57  }
0x13c: {  	v23 =	vmul.f32 v29, v23;
	(xrf2) =	vadd.scan.msk.f32 $0xffff, v52;
	_ =	sdelay $0x1  }
0x13d: {  	[tilespmem:v10+s10+$0x0] =	vst.idx.msk $0xff, v23  }
0x13e: {  	[tilespmem:v10+s11+$0x0] =	vst.idx.msk $0xff, v20;
	v10 =	vmul.f32 v40, v26;
	v59, _, _ =	vpop (xrf2)  }
0x13f: {  	v58 =	vmul.f32 v45, v24;
	v60 =	vbroadcast v59, $0xF  }
0x140: {  	[tilespmem:v12+s10+$0x0] =	vst.idx.msk $0xff, v10;
	v61, _, _ =	vpop (xrf2)  }
0x141: {  	[tilespmem:v11+s10+$0x0] =	vst.idx.msk $0xff, v58;
	v10 =	vbroadcast v61, $0xF;
	(erf) = vrcp.f32 v60  }
0x142: {  	[tilespmem:v11+s11+$0x0] =	vst.idx.msk $0xff, v17;
	v11 =	vmul.f32 v41, v27  }
0x143: {  	[tilespmem:v12+s11+$0x0] =	vst.idx.msk $0xff, v19;
	v62 =	vmul.f32 v63, v39;
	v63, _, _ =	vpop (xrf2);
	(erf) = vrcp.f32 v10  }
0x144: {  	[tilespmem:v9+s10+$0x0] =	vst.idx.msk $0xff, v11;
	v11 =	vbroadcast v63, $0xF  }
0x145: {  	[tilespmem:v9+s11+$0x0] =	vst.idx.msk $0xff, v18;
	v9 =	vmul.f32 v44, v34;
	v10, _, _ =	vpop (xrf2)  }
0x146: {  	[tilespmem:v13+s10+$0x0] =	vst.idx.msk $0xff, v62;
	(erf) = vrcp.f32 v11;
	v10 =	vbroadcast v10, $0xF  }
0x147: {  	[tilespmem:v13+s11+$0x0] =	vst.idx.msk $0xff, v28  }
0x148: {  	[tilespmem:v14+s10+$0x0] =	vst.idx.msk $0xff, v9;
	v9 =	vmul.f32 v46, v36;
	(erf) = vrcp.f32 v10  }
0x149: {  	[tilespmem:v14+s11+$0x0] =	vst.idx.msk $0xff, v32  }
0x14a: {  	[tilespmem:v16+s10+$0x0] =	vst.idx.msk $0xff, v9;
	v11 =	vmul.f32 v37, v35;
	v10 =	vpop (erf)  }
0x14b: {  	[tilespmem:v16+s11+$0x0] =	vst.idx.msk $0xff, v33;
	v9 =	vmul.f32 v10, v47  }
0x14c: {  	[tilespmem:v15+s10+$0x0] =	vst.idx.msk $0xff, v11;
	v10 =	vpop (erf)  }
0x14d: {  	[tilespmem:v22+s10+$0x0] =	vst.idx.msk $0xff, v9;
	v9 =	vmul.f32 v10, v49  }
0x14e: {  	[tilespmem:v15+s11+$0x0] =	vst.idx.msk $0xff, v31  }
0x14f: {  	v10 =	vpop (erf);
	[tilespmem:v22+s11+$0x0] =	vst.idx.msk $0xff, v38  }
0x150: {  	v10 =	vmul.f32 v10, v50;
	[tilespmem:v21+s10+$0x0] =	vst.idx.msk $0xff, v9  }
0x151: {  	[tilespmem:v21+s11+$0x0] =	vst.idx.msk $0xff, v43;
	v9 =	vpop (erf)  }
0x152: {  	[tilespmem:v25+s10+$0x0] =	vst.idx.msk $0xff, v10;
	v9 =	vmul.f32 v9, v52  }
0x153: {  	[tilespmem:v25+s11+$0x0] =	vst.idx.msk $0xff, v48  }
0x154: {  	[tilespmem:v30+s10+$0x0] =	vst.idx.msk $0xff, v9  }
0x155: {  	[tilespmem:v30+s11+$0x0] =	vst.idx.msk $0xff, v51  }
0x156: {  	[hbm4b:s4+s2] =	stream.linear.scatter [tilespmem:s10], [sflag:$0x1], $0x800, $0x38;
	[tilespmem:$0x5000] =	vst v63  }
0x157: {  	s12 =	sadd.s32 $0x1, s12;
	_ =	swait.ge [sflag:s9], $0x800  }
0x158: {  	p0 =	sne.s32 s12, s6;
	[sflag:s9] =	ssyncset.done $0x0  }
.Ltmp1:
0x159: {  	[sflag:s9] =	ssyncadd.s32 $0xFFFFF800;
	(pc) =	sbr.rel @p0 .LBB2_1-.Ltmp1, $4  }
0x15a: {  	[hbm4b:s5+s2] =	stream.linear.scatter [tilespmem:s11], [sflag:$0x1], $0x800, $0x38;
	[tilespmem:$0x5000] =	vst v63  }
0x15b: {  	_ =	swait.ge [sflag:s9], $0x800  }
0x15c: {  	[sflag:s9] =	ssyncset.done $0x0  }
0x15d: {  	[sflag:s9] =	ssyncadd.s32 $0xFFFFF800  }
0x15e: {  	_ =	sfence.sel $0x180000  }
0x15f: {  	[bflag:$0x0] =	sbarrier.arrive $0xFFFF  }
0x160: {  	p0 =	sne.s32 s0, $0x0;
	_ =	strace $0x90000047  }
0x161: {  	s0 =	sadd.s32 @!p0 $0x100000, s1;
	[bflag:$0x2] =	sbarrier.arrive $0xFFFF  }
0x162: {  	[sflag:s0] =	ssyncadd.tile.s32 @!p0 $0x1;
	_ =	shalt  }
.Lfunc_end2:
_tile_overlayer_lowered:
.L_overlay_start_2:
0x163: {  	(tag) =	ssettag $0x2  }
0x164: {  	s0 =	rddreg [dreg:$0x0];
	s2 =	stileid.u32  }
0x165: {  	s1 =	rddreg [dreg:$0x1];
	p0 =	sne.s32 s2, $0x0  }
0x166: {  	s3 =	rddreg [dreg:$0x2];
	[bflag:$0x3] =	sbarrier.arrive $0xFFFF;
	s2 =	simm.s32 @!p0 $0x1C01  }
0x167: {  	[timem:s3], [sflag:s2] =	dma.local @!p0 [hbm:s0], s1  }
0x168: {  	s0 =	simm.s32 @!p0 $0x1  }
0x169: {  	_ =	swait.ge @!p0 [sflag:s0], s1  }
0x16a: {  	s1 =	ssub.s32 @!p0 $0x0, s1;
	[sflag:s0] =	ssyncset.done @!p0 $0x0  }
0x16b: {  	[sflag:s0] =	ssyncadd.s32 @!p0 s1  }
0x16c: {  	[bflag:$0x3] =	sbarrier.arrive $0xFFFF  }
0x16d: {  	_ =	shalt  }

</sc_bundles>
